<compile_context>
chip_gen: v7x
topology: tpu7x:2x2x1
jax: 0.10.2.dev20260603
libtpu: 0.0.44.dev20260713+nightly
codegen_flags: <defaults>
</compile_context>

<pallas_src>
import functools

import jax
import jax.numpy as jnp
from jax import lax
from jax.experimental import pallas as pl
from jax.experimental.pallas import tpu as pltpu
from jax.experimental.pallas import tpu_sc as plsc

B = 16384
EMB = 128
H0, H1, H2 = 1024, 1024, 512
NC, NS = 2, 16
NW = NC * NS
CHS = (4096, 12288)
BM = 1024


def _sc_gather_chunk(user, item, user_table, item_table, off, chb):
    f32 = jnp.float32
    rpt = chb // NW
    mesh = plsc.VectorSubcoreMesh(core_axis_name="c", subcore_axis_name="s")
    out_type = (
        jax.ShapeDtypeStruct((chb, EMB), f32),
        jax.ShapeDtypeStruct((chb, EMB), f32),
    )

    @functools.partial(
        pl.kernel, mesh=mesh, out_type=out_type,
        scratch_types=[
            pltpu.VMEM((rpt,), jnp.int32),
            pltpu.VMEM((rpt,), jnp.int32),
            pltpu.VMEM((rpt, EMB), f32),
            pltpu.VMEM((rpt, EMB), f32),
            pltpu.SemaphoreType.DMA,
            pltpu.SemaphoreType.DMA,
            pltpu.SemaphoreType.DMA,
        ],
    )
    def k(u_hbm, i_hbm, ut_hbm, it_hbm, uo_hbm, io_hbm,
          uidx_v, iidx_v, urows_v, irows_v, gsem, osem0, osem1):
        wid = lax.axis_index("s") * NC + lax.axis_index("c")
        src = off + wid * rpt
        dst = wid * rpt
        pltpu.sync_copy(u_hbm.at[pl.ds(src, rpt)], uidx_v)
        pltpu.sync_copy(i_hbm.at[pl.ds(src, rpt)], iidx_v)
        pltpu.async_copy(ut_hbm.at[uidx_v], urows_v, gsem).wait()
        ou = pltpu.async_copy(urows_v, uo_hbm.at[pl.ds(dst, rpt)], osem0)
        pltpu.async_copy(it_hbm.at[iidx_v], irows_v, gsem).wait()
        oi = pltpu.async_copy(irows_v, io_hbm.at[pl.ds(dst, rpt)], osem1)
        ou.wait()
        oi.wait()

    return k(user, item, user_table, item_table)


def _sc_gather_chunk0_bias(user, item, user_table, item_table,
                           ub_flat, ib_flat, chb):
    f32 = jnp.float32
    rpt = chb // NW
    BPW = B // NW
    mesh = plsc.VectorSubcoreMesh(core_axis_name="c", subcore_axis_name="s")
    out_type = (
        jax.ShapeDtypeStruct((chb, EMB), f32),
        jax.ShapeDtypeStruct((chb, EMB), f32),
        jax.ShapeDtypeStruct((B,), f32),
        jax.ShapeDtypeStruct((B,), f32),
    )

    @functools.partial(
        pl.kernel, mesh=mesh, out_type=out_type,
        scratch_types=[
            pltpu.VMEM((rpt,), jnp.int32),
            pltpu.VMEM((rpt,), jnp.int32),
            pltpu.VMEM((rpt, EMB), f32),
            pltpu.VMEM((rpt, EMB), f32),
            pltpu.VMEM((BPW,), jnp.int32),
            pltpu.VMEM((BPW,), jnp.int32),
            pltpu.VMEM((BPW,), f32),
            pltpu.VMEM((BPW,), f32),
            pltpu.SemaphoreType.DMA,
            pltpu.SemaphoreType.DMA,
            pltpu.SemaphoreType.DMA,
            pltpu.SemaphoreType.DMA,
            pltpu.SemaphoreType.DMA,
        ],
    )
    def k(u_hbm, i_hbm, ut_hbm, it_hbm, ub_hbm, ib_hbm,
          uo_hbm, io_hbm, ubo_hbm, ibo_hbm,
          uidx_v, iidx_v, urows_v, irows_v,
          buidx_v, biidx_v, ubvals_v, ibvals_v,
          gsem, osem0, osem1, bsem0, bsem1):
        wid = lax.axis_index("s") * NC + lax.axis_index("c")
        src = wid * rpt
        base = wid * BPW
        pltpu.sync_copy(u_hbm.at[pl.ds(base, BPW)], buidx_v)
        pltpu.sync_copy(i_hbm.at[pl.ds(base, BPW)], biidx_v)
        bu = pltpu.async_copy(ub_hbm.at[buidx_v], ubvals_v, bsem0)
        bi = pltpu.async_copy(ib_hbm.at[biidx_v], ibvals_v, bsem1)
        pltpu.sync_copy(u_hbm.at[pl.ds(src, rpt)], uidx_v)
        pltpu.sync_copy(i_hbm.at[pl.ds(src, rpt)], iidx_v)
        pltpu.async_copy(ut_hbm.at[uidx_v], urows_v, gsem).wait()
        ou = pltpu.async_copy(urows_v, uo_hbm.at[pl.ds(src, rpt)], osem0)
        pltpu.async_copy(it_hbm.at[iidx_v], irows_v, gsem).wait()
        oi = pltpu.async_copy(irows_v, io_hbm.at[pl.ds(src, rpt)], osem1)
        bu.wait()
        ou2 = pltpu.async_copy(ubvals_v, ubo_hbm.at[pl.ds(base, BPW)], bsem0)
        bi.wait()
        bi2 = pltpu.async_copy(ibvals_v, ibo_hbm.at[pl.ds(base, BPW)], bsem1)
        ou.wait()
        oi.wait()
        ou2.wait()
        bi2.wait()

    return k(user, item, user_table, item_table, ub_flat, ib_flat)


def _mlp_body(u_ref, i_ref, ub_ref, ib_ref, w0_ref, b0_ref, w1_ref, b1_ref,
              w2_ref, b2_ref, o_ref):
    f32 = jnp.float32
    w0 = w0_ref[...]
    x = jnp.concatenate([u_ref[...], i_ref[...]], axis=1)
    acc = jnp.dot(x, w0, preferred_element_type=f32)
    su = jnp.sum(w0[:EMB], axis=0, keepdims=True)
    si = jnp.sum(w0[EMB:], axis=0, keepdims=True)
    ub = ub_ref[...].reshape(BM, 1)
    ib = ib_ref[...].reshape(BM, 1)
    acc = acc + b0_ref[...] + ub * su + ib * si
    h = jnp.maximum(acc, 0.0)
    h = jnp.maximum(
        jnp.dot(h, w1_ref[...], preferred_element_type=f32) + b1_ref[...],
        0.0)
    o_ref[...] = jnp.maximum(
        jnp.dot(h, w2_ref[...], preferred_element_type=f32) + b2_ref[...],
        0.0)


def _mlp_chunk(off, chb, out_buf, u_emb, i_emb, ubg, ibg,
               W0, b0, W1, b1, W2, b2):
    noff = off // BM
    in_specs = [
        pl.BlockSpec((BM, EMB), lambda i: (i, 0)),
        pl.BlockSpec((BM, EMB), lambda i: (i, 0)),
        pl.BlockSpec((BM,), lambda i: (i + noff,)),
        pl.BlockSpec((BM,), lambda i: (i + noff,)),
        pl.BlockSpec((2 * EMB, H0), lambda i: (0, 0)),
        pl.BlockSpec((1, H0), lambda i: (0, 0)),
        pl.BlockSpec((H0, H1), lambda i: (0, 0)),
        pl.BlockSpec((1, H1), lambda i: (0, 0)),
        pl.BlockSpec((H1, H2), lambda i: (0, 0)),
        pl.BlockSpec((1, H2), lambda i: (0, 0)),
    ]
    args = [u_emb, i_emb, ubg, ibg, W0, b0, W1, b1, W2, b2]
    body = _mlp_body
    aliases = {}
    if out_buf is not None:
        in_specs.append(pl.BlockSpec(memory_space=pltpu.MemorySpace.HBM))
        args.append(out_buf)
        aliases = {10: 0}
        body = lambda *refs: _mlp_body(*refs[:10], refs[11])
    return pl.pallas_call(
        body,
        grid=(chb // BM,),
        in_specs=in_specs,
        out_specs=pl.BlockSpec((BM, H2), lambda i: (i + noff, 0)),
        out_shape=jax.ShapeDtypeStruct((B, H2), jnp.float32),
        input_output_aliases=aliases,
        compiler_params=pltpu.CompilerParams(
            dimension_semantics=("arbitrary",)),
    )(*args)


def kernel(user, item, user_table, item_table, user_bias, item_bias,
           W0, b0, W1, b1, W2, b2):
    offs = [sum(CHS[:c]) for c in range(len(CHS))]
    u0, i0, ubg, ibg = _sc_gather_chunk0_bias(
        user, item, user_table, item_table,
        user_bias.reshape(-1), item_bias.reshape(-1), CHS[0])
    embs = [(u0, i0)]
    embs += [_sc_gather_chunk(user, item, user_table, item_table, off, chb)
             for off, chb in zip(offs[1:], CHS[1:])]
    b0r, b1r, b2r = b0.reshape(1, H0), b1.reshape(1, H1), b2.reshape(1, H2)
    out = None
    for (off, chb), (u_emb, i_emb) in zip(zip(offs, CHS), embs):
        out = _mlp_chunk(off, chb, out, u_emb, i_emb, ubg, ibg,
                         W0, b0r, W1, b1r, W2, b2r)
    return out

# --- scband reference (transcript-rebuilt; emitter-appended) ---
"""Pipeline reference for scband-mlp-7249904795752 (READ-ONLY COPY).

The authoritative reference and input builder live on the scoring server;
editing this copy changes nothing except your own understanding.
"""

import jax, jax.numpy as jnp
import numpy as np

USER_COUNT = 100000
ITEM_COUNT = 100000
EMB = 128
HIDDEN = [1024, 1024, 512]
B = 16384


def _xavier(key, fan_in, fan_out):
    std = float(np.sqrt(2.0 / (fan_in + fan_out)))
    return jax.random.normal(key, (fan_in, fan_out), dtype=jnp.float32) * std


def setup_inputs(seed: int = 0) -> dict:
    key = jax.random.key(seed)
    ks = jax.random.split(key, 16)
    user = jax.random.randint(ks[0], (B,), 0, USER_COUNT, dtype=jnp.int64 if jax.config.jax_enable_x64 else jnp.int32).astype(jnp.int32)
    item = jax.random.randint(ks[1], (B,), 0, ITEM_COUNT, dtype=jnp.int32)
    user_table = _xavier(ks[2], USER_COUNT, EMB)
    item_table = _xavier(ks[3], ITEM_COUNT, EMB)
    user_bias = jnp.zeros((USER_COUNT, 1), dtype=jnp.float32)
    item_bias = jnp.zeros((ITEM_COUNT, 1), dtype=jnp.float32)
    dims = [2 * EMB] + HIDDEN
    params = {}
    for i, (d_in, d_out) in enumerate(zip(dims[:-1], dims[1:])):
        params[f"W{i}"] = _xavier(ks[4 + 2 * i], d_in, d_out)
        params[f"b{i}"] = jax.random.normal(ks[5 + 2 * i], (d_out,), dtype=jnp.float32) * 0.001
    out = {"user": user, "item": item, "user_table": user_table, "item_table": item_table, "user_bias": user_bias, "item_bias": item_bias}
    out.update(params)
    return out


def reference(user, item, user_table, item_table, user_bias, item_bias, W0, b0, W1, b1, W2, b2):
    user_emb = jnp.take(user_table, user, axis=0) + jnp.take(user_bias, user, axis=0)
    item_emb = jnp.take(item_table, item, axis=0) + jnp.take(item_bias, item, axis=0)
    hidden = jnp.concatenate([user_emb, item_emb], axis=-1)
    for W, b in ((W0, b0), (W1, b1), (W2, b2)):
        hidden = hidden @ W + b
        hidden = jax.nn.relu(hidden)
    return hidden

if __name__ == "__main__":
    import jax
    _d = setup_inputs()
    print(jax.jit(kernel)(*tuple(_d.values())))

</pallas_src>

<mosaic_0001>
#map = affine_map<(d0, d1) -> (0)>
#map1 = affine_map<(d0, d1) -> (0, 0)>
module attributes {stable_mosaic.version = 14 : i64} {
  func.func @k(%arg0: i32, %arg1: i32, %arg2: memref<16384xi32, #tpu.memory_space<hbm>>, %arg3: memref<16384xi32, #tpu.memory_space<hbm>>, %arg4: memref<100000x128xf32, #tpu.memory_space<hbm>>, %arg5: memref<100000x128xf32, #tpu.memory_space<hbm>>, %arg6: memref<12288x128xf32, #tpu.memory_space<hbm>>, %arg7: memref<12288x128xf32, #tpu.memory_space<hbm>>, %arg8: memref<384xi32, #tpu.memory_space<vmem>>, %arg9: memref<384xi32, #tpu.memory_space<vmem>>, %arg10: memref<384x128xf32, #tpu.memory_space<vmem>>, %arg11: memref<384x128xf32, #tpu.memory_space<vmem>>, %arg12: memref<!tpu.dma_semaphore, #tpu.memory_space<semaphore_mem>>, %arg13: memref<!tpu.dma_semaphore, #tpu.memory_space<semaphore_mem>>, %arg14: memref<!tpu.dma_semaphore, #tpu.memory_space<semaphore_mem>>) attributes {dimension_semantics = [#tpu.dimension_semantics<core_parallel>, #tpu.dimension_semantics<subcore_parallel>], iteration_bounds = array<i64: 2, 16>, scalar_prefetch = 0 : i64, scratch_operands = 7 : i64, tpu.core_type = #tpu.core_type<sc_vector_subcore>, window_params = [{transform_indices = #map}, {transform_indices = #map}, {transform_indices = #map1}, {transform_indices = #map1}, {transform_indices = #map1}, {transform_indices = #map1}]} {
    %mul3A = arith.constant 2 : i32
    %mul3A_0 = arith.muli %arg1, %mul3A : i32
    %add3A = arith.addi %mul3A_0, %arg0 : i32
    %mul3A_1 = arith.constant 384 : i32
    %mul3A_2 = arith.muli %add3A, %mul3A_1 : i32
    %add3A_3 = arith.constant 4096 : i32
    %add3A_4 = arith.addi %add3A_3, %mul3A_2 : i32
    %mul3A_5 = arith.constant 384 : i32
    %mul3A_6 = arith.muli %add3A, %mul3A_5 : i32
    "tpu.region"() ({
      %run_scoped3A = tpu.sem_alloc : memref<!tpu.dma_semaphore, #tpu.memory_space<semaphore_mem>>
      %dma_start3A_33 = tpu.memref_slice %arg2[%add3A_4] : memref<16384xi32, #tpu.memory_space<hbm>> -> memref<384xi32, #tpu.memory_space<hbm>>
      %dma_start3A_34 = tpu.memref_slice %arg2[%add3A_4] : memref<16384xi32, #tpu.memory_space<hbm>> -> memref<384xi32, #tpu.memory_space<hbm>>
      tpu.enqueue_dma source(%dma_start3A_34 : memref<384xi32, #tpu.memory_space<hbm>>) target(%arg8 : memref<384xi32, #tpu.memory_space<vmem>>) target_semaphore(%run_scoped3A : memref<!tpu.dma_semaphore, #tpu.memory_space<semaphore_mem>>)
      %dma_wait3A_35 = tpu.memref_slice %arg2[%add3A_4] : memref<16384xi32, #tpu.memory_space<hbm>> -> memref<384xi32, #tpu.memory_space<hbm>>
      %dma_wait3A_36 = tpu.memref_slice %arg2[%add3A_4] : memref<16384xi32, #tpu.memory_space<hbm>> -> memref<384xi32, #tpu.memory_space<hbm>>
      tpu.wait_dma2 semaphore(%run_scoped3A : memref<!tpu.dma_semaphore, #tpu.memory_space<semaphore_mem>>) src(%dma_wait3A_36 : memref<384xi32, #tpu.memory_space<hbm>>) dst(%arg8 : memref<384xi32, #tpu.memory_space<vmem>>)
      tpu.yield
    }) : () -> ()
    "tpu.region"() ({
      %run_scoped3A = tpu.sem_alloc : memref<!tpu.dma_semaphore, #tpu.memory_space<semaphore_mem>>
      %dma_start3A_33 = tpu.memref_slice %arg3[%add3A_4] : memref<16384xi32, #tpu.memory_space<hbm>> -> memref<384xi32, #tpu.memory_space<hbm>>
      %dma_start3A_34 = tpu.memref_slice %arg3[%add3A_4] : memref<16384xi32, #tpu.memory_space<hbm>> -> memref<384xi32, #tpu.memory_space<hbm>>
      tpu.enqueue_dma source(%dma_start3A_34 : memref<384xi32, #tpu.memory_space<hbm>>) target(%arg9 : memref<384xi32, #tpu.memory_space<vmem>>) target_semaphore(%run_scoped3A : memref<!tpu.dma_semaphore, #tpu.memory_space<semaphore_mem>>)
      %dma_wait3A_35 = tpu.memref_slice %arg3[%add3A_4] : memref<16384xi32, #tpu.memory_space<hbm>> -> memref<384xi32, #tpu.memory_space<hbm>>
      %dma_wait3A_36 = tpu.memref_slice %arg3[%add3A_4] : memref<16384xi32, #tpu.memory_space<hbm>> -> memref<384xi32, #tpu.memory_space<hbm>>
      tpu.wait_dma2 semaphore(%run_scoped3A : memref<!tpu.dma_semaphore, #tpu.memory_space<semaphore_mem>>) src(%dma_wait3A_36 : memref<384xi32, #tpu.memory_space<hbm>>) dst(%arg9 : memref<384xi32, #tpu.memory_space<vmem>>)
      tpu.yield
    }) : () -> ()
    %dma_start3A = arith.constant 0 : i32
    %dma_start3A_7 = arith.constant 0 : i32
    %dma_start3A_8 = tpu.memref_slice %arg4[%dma_start3A, %dma_start3A_7] : memref<100000x128xf32, #tpu.memory_space<hbm>> -> memref<100000x128xf32, #tpu.memory_space<hbm>>
    tpu.enqueue_indirect_dma source(%dma_start3A_8 : memref<100000x128xf32, #tpu.memory_space<hbm>>) target(%arg10 : memref<384x128xf32, #tpu.memory_space<vmem>>) offsets(%arg8 : memref<384xi32, #tpu.memory_space<vmem>>) semaphore(%arg12 : memref<!tpu.dma_semaphore, #tpu.memory_space<semaphore_mem>>)
    %dma_wait3A = arith.constant 0 : i32
    %dma_wait3A_9 = arith.constant 0 : i32
    %dma_wait3A_10 = tpu.memref_slice %arg4[%dma_wait3A, %dma_wait3A_9] : memref<100000x128xf32, #tpu.memory_space<hbm>> -> memref<100000x128xf32, #tpu.memory_space<hbm>>
    tpu.wait_indirect_dma semaphore(%arg12 : memref<!tpu.dma_semaphore, #tpu.memory_space<semaphore_mem>>) src(%dma_wait3A_10 : memref<100000x128xf32, #tpu.memory_space<hbm>>) dst(%arg10 : memref<384x128xf32, #tpu.memory_space<vmem>>)
    %dma_start3A_11 = arith.constant 0 : i32
    %dma_start3A_12 = tpu.memref_slice %arg6[%mul3A_6, %dma_start3A_11] : memref<12288x128xf32, #tpu.memory_space<hbm>> -> memref<384x128xf32, #tpu.memory_space<hbm>>
    %dma_start3A_13 = arith.constant 0 : i32
    %dma_start3A_14 = tpu.memref_slice %arg6[%mul3A_6, %dma_start3A_13] : memref<12288x128xf32, #tpu.memory_space<hbm>> -> memref<384x128xf32, #tpu.memory_space<hbm>>
    tpu.enqueue_dma source(%arg10 : memref<384x128xf32, #tpu.memory_space<vmem>>) target(%dma_start3A_14 : memref<384x128xf32, #tpu.memory_space<hbm>>) target_semaphore(%arg13 : memref<!tpu.dma_semaphore, #tpu.memory_space<semaphore_mem>>)
    %dma_start3A_15 = arith.constant 0 : i32
    %dma_start3A_16 = arith.constant 0 : i32
    %dma_start3A_17 = tpu.memref_slice %arg5[%dma_start3A_15, %dma_start3A_16] : memref<100000x128xf32, #tpu.memory_space<hbm>> -> memref<100000x128xf32, #tpu.memory_space<hbm>>
    tpu.enqueue_indirect_dma source(%dma_start3A_17 : memref<100000x128xf32, #tpu.memory_space<hbm>>) target(%arg11 : memref<384x128xf32, #tpu.memory_space<vmem>>) offsets(%arg9 : memref<384xi32, #tpu.memory_space<vmem>>) semaphore(%arg12 : memref<!tpu.dma_semaphore, #tpu.memory_space<semaphore_mem>>)
    %dma_wait3A_18 = arith.constant 0 : i32
    %dma_wait3A_19 = arith.constant 0 : i32
    %dma_wait3A_20 = tpu.memref_slice %arg5[%dma_wait3A_18, %dma_wait3A_19] : memref<100000x128xf32, #tpu.memory_space<hbm>> -> memref<100000x128xf32, #tpu.memory_space<hbm>>
    tpu.wait_indirect_dma semaphore(%arg12 : memref<!tpu.dma_semaphore, #tpu.memory_space<semaphore_mem>>) src(%dma_wait3A_20 : memref<100000x128xf32, #tpu.memory_space<hbm>>) dst(%arg11 : memref<384x128xf32, #tpu.memory_space<vmem>>)
    %dma_start3A_21 = arith.constant 0 : i32
    %dma_start3A_22 = tpu.memref_slice %arg7[%mul3A_6, %dma_start3A_21] : memref<12288x128xf32, #tpu.memory_space<hbm>> -> memref<384x128xf32, #tpu.memory_space<hbm>>
    %dma_start3A_23 = arith.constant 0 : i32
    %dma_start3A_24 = tpu.memref_slice %arg7[%mul3A_6, %dma_start3A_23] : memref<12288x128xf32, #tpu.memory_space<hbm>> -> memref<384x128xf32, #tpu.memory_space<hbm>>
    tpu.enqueue_dma source(%arg11 : memref<384x128xf32, #tpu.memory_space<vmem>>) target(%dma_start3A_24 : memref<384x128xf32, #tpu.memory_space<hbm>>) target_semaphore(%arg14 : memref<!tpu.dma_semaphore, #tpu.memory_space<semaphore_mem>>)
    %dma_wait3A_25 = arith.constant 0 : i32
    %dma_wait3A_26 = tpu.memref_slice %arg6[%mul3A_6, %dma_wait3A_25] : memref<12288x128xf32, #tpu.memory_space<hbm>> -> memref<384x128xf32, #tpu.memory_space<hbm>>
    %dma_wait3A_27 = arith.constant 0 : i32
    %dma_wait3A_28 = tpu.memref_slice %arg6[%mul3A_6, %dma_wait3A_27] : memref<12288x128xf32, #tpu.memory_space<hbm>> -> memref<384x128xf32, #tpu.memory_space<hbm>>
    tpu.wait_dma2 semaphore(%arg13 : memref<!tpu.dma_semaphore, #tpu.memory_space<semaphore_mem>>) src(%arg10 : memref<384x128xf32, #tpu.memory_space<vmem>>) dst(%dma_wait3A_28 : memref<384x128xf32, #tpu.memory_space<hbm>>)
    %dma_wait3A_29 = arith.constant 0 : i32
    %dma_wait3A_30 = tpu.memref_slice %arg7[%mul3A_6, %dma_wait3A_29] : memref<12288x128xf32, #tpu.memory_space<hbm>> -> memref<384x128xf32, #tpu.memory_space<hbm>>
    %dma_wait3A_31 = arith.constant 0 : i32
    %dma_wait3A_32 = tpu.memref_slice %arg7[%mul3A_6, %dma_wait3A_31] : memref<12288x128xf32, #tpu.memory_space<hbm>> -> memref<384x128xf32, #tpu.memory_space<hbm>>
    tpu.wait_dma2 semaphore(%arg14 : memref<!tpu.dma_semaphore, #tpu.memory_space<semaphore_mem>>) src(%arg11 : memref<384x128xf32, #tpu.memory_space<vmem>>) dst(%dma_wait3A_32 : memref<384x128xf32, #tpu.memory_space<hbm>>)
    return
  }
}

#map = affine_map<(d0, d1) -> (0)>
#map1 = affine_map<(d0, d1) -> (0, 0)>
module attributes {stable_mosaic.version = 14 : i64} {
  func.func @k(%arg0: i32, %arg1: i32, %arg2: memref<16384xi32, #tpu.memory_space<hbm>>, %arg3: memref<16384xi32, #tpu.memory_space<hbm>>, %arg4: memref<100000x128xf32, #tpu.memory_space<hbm>>, %arg5: memref<100000x128xf32, #tpu.memory_space<hbm>>, %arg6: memref<100000xf32, #tpu.memory_space<hbm>>, %arg7: memref<100000xf32, #tpu.memory_space<hbm>>, %arg8: memref<4096x128xf32, #tpu.memory_space<hbm>>, %arg9: memref<4096x128xf32, #tpu.memory_space<hbm>>, %arg10: memref<16384xf32, #tpu.memory_space<hbm>>, %arg11: memref<16384xf32, #tpu.memory_space<hbm>>, %arg12: memref<128xi32, #tpu.memory_space<vmem>>, %arg13: memref<128xi32, #tpu.memory_space<vmem>>, %arg14: memref<128x128xf32, #tpu.memory_space<vmem>>, %arg15: memref<128x128xf32, #tpu.memory_space<vmem>>, %arg16: memref<512xi32, #tpu.memory_space<vmem>>, %arg17: memref<512xi32, #tpu.memory_space<vmem>>, %arg18: memref<512xf32, #tpu.memory_space<vmem>>, %arg19: memref<512xf32, #tpu.memory_space<vmem>>, %arg20: memref<!tpu.dma_semaphore, #tpu.memory_space<semaphore_mem>>, %arg21: memref<!tpu.dma_semaphore, #tpu.memory_space<semaphore_mem>>, %arg22: memref<!tpu.dma_semaphore, #tpu.memory_space<semaphore_mem>>, %arg23: memref<!tpu.dma_semaphore, #tpu.memory_space<semaphore_mem>>, %arg24: memref<!tpu.dma_semaphore, #tpu.memory_space<semaphore_mem>>) attributes {dimension_semantics = [#tpu.dimension_semantics<core_parallel>, #tpu.dimension_semantics<subcore_parallel>], iteration_bounds = array<i64: 2, 16>, scalar_prefetch = 0 : i64, scratch_operands = 13 : i64, tpu.core_type = #tpu.core_type<sc_vector_subcore>, window_params = [{transform_indices = #map}, {transform_indices = #map}, {transform_indices = #map1}, {transform_indices = #map1}, {transform_indices = #map}, {transform_indices = #map}, {transform_indices = #map1}, {transform_indices = #map1}, {transform_indices = #map}, {transform_indices = #map}]} {
    %mul3A = arith.constant 2 : i32
    %mul3A_0 = arith.muli %arg1, %mul3A : i32
    %add3A = arith.addi %mul3A_0, %arg0 : i32
    %mul3A_1 = arith.constant 128 : i32
    %mul3A_2 = arith.muli %add3A, %mul3A_1 : i32
    %mul3A_3 = arith.constant 512 : i32
    %mul3A_4 = arith.muli %add3A, %mul3A_3 : i32
    "tpu.region"() ({
      %run_scoped3A = tpu.sem_alloc : memref<!tpu.dma_semaphore, #tpu.memory_space<semaphore_mem>>
      %dma_start3A_47 = tpu.memref_slice %arg2[%mul3A_4] : memref<16384xi32, #tpu.memory_space<hbm>> -> memref<512xi32, #tpu.memory_space<hbm>>
      %dma_start3A_48 = tpu.memref_slice %arg2[%mul3A_4] : memref<16384xi32, #tpu.memory_space<hbm>> -> memref<512xi32, #tpu.memory_space<hbm>>
      tpu.enqueue_dma source(%dma_start3A_48 : memref<512xi32, #tpu.memory_space<hbm>>) target(%arg16 : memref<512xi32, #tpu.memory_space<vmem>>) target_semaphore(%run_scoped3A : memref<!tpu.dma_semaphore, #tpu.memory_space<semaphore_mem>>)
      %dma_wait3A_49 = tpu.memref_slice %arg2[%mul3A_4] : memref<16384xi32, #tpu.memory_space<hbm>> -> memref<512xi32, #tpu.memory_space<hbm>>
      %dma_wait3A_50 = tpu.memref_slice %arg2[%mul3A_4] : memref<16384xi32, #tpu.memory_space<hbm>> -> memref<512xi32, #tpu.memory_space<hbm>>
      tpu.wait_dma2 semaphore(%run_scoped3A : memref<!tpu.dma_semaphore, #tpu.memory_space<semaphore_mem>>) src(%dma_wait3A_50 : memref<512xi32, #tpu.memory_space<hbm>>) dst(%arg16 : memref<512xi32, #tpu.memory_space<vmem>>)
      tpu.yield
    }) : () -> ()
    "tpu.region"() ({
      %run_scoped3A = tpu.sem_alloc : memref<!tpu.dma_semaphore, #tpu.memory_space<semaphore_mem>>
      %dma_start3A_47 = tpu.memref_slice %arg3[%mul3A_4] : memref<16384xi32, #tpu.memory_space<hbm>> -> memref<512xi32, #tpu.memory_space<hbm>>
      %dma_start3A_48 = tpu.memref_slice %arg3[%mul3A_4] : memref<16384xi32, #tpu.memory_space<hbm>> -> memref<512xi32, #tpu.memory_space<hbm>>
      tpu.enqueue_dma source(%dma_start3A_48 : memref<512xi32, #tpu.memory_space<hbm>>) target(%arg17 : memref<512xi32, #tpu.memory_space<vmem>>) target_semaphore(%run_scoped3A : memref<!tpu.dma_semaphore, #tpu.memory_space<semaphore_mem>>)
      %dma_wait3A_49 = tpu.memref_slice %arg3[%mul3A_4] : memref<16384xi32, #tpu.memory_space<hbm>> -> memref<512xi32, #tpu.memory_space<hbm>>
      %dma_wait3A_50 = tpu.memref_slice %arg3[%mul3A_4] : memref<16384xi32, #tpu.memory_space<hbm>> -> memref<512xi32, #tpu.memory_space<hbm>>
      tpu.wait_dma2 semaphore(%run_scoped3A : memref<!tpu.dma_semaphore, #tpu.memory_space<semaphore_mem>>) src(%dma_wait3A_50 : memref<512xi32, #tpu.memory_space<hbm>>) dst(%arg17 : memref<512xi32, #tpu.memory_space<vmem>>)
      tpu.yield
    }) : () -> ()
    %dma_start3A = arith.constant 0 : i32
    %dma_start3A_5 = tpu.memref_slice %arg6[%dma_start3A] : memref<100000xf32, #tpu.memory_space<hbm>> -> memref<100000xf32, #tpu.memory_space<hbm>>
    tpu.enqueue_indirect_dma source(%dma_start3A_5 : memref<100000xf32, #tpu.memory_space<hbm>>) target(%arg18 : memref<512xf32, #tpu.memory_space<vmem>>) offsets(%arg16 : memref<512xi32, #tpu.memory_space<vmem>>) semaphore(%arg23 : memref<!tpu.dma_semaphore, #tpu.memory_space<semaphore_mem>>)
    %dma_start3A_6 = arith.constant 0 : i32
    %dma_start3A_7 = tpu.memref_slice %arg7[%dma_start3A_6] : memref<100000xf32, #tpu.memory_space<hbm>> -> memref<100000xf32, #tpu.memory_space<hbm>>
    tpu.enqueue_indirect_dma source(%dma_start3A_7 : memref<100000xf32, #tpu.memory_space<hbm>>) target(%arg19 : memref<512xf32, #tpu.memory_space<vmem>>) offsets(%arg17 : memref<512xi32, #tpu.memory_space<vmem>>) semaphore(%arg24 : memref<!tpu.dma_semaphore, #tpu.memory_space<semaphore_mem>>)
    "tpu.region"() ({
      %run_scoped3A = tpu.sem_alloc : memref<!tpu.dma_semaphore, #tpu.memory_space<semaphore_mem>>
      %dma_start3A_47 = tpu.memref_slice %arg2[%mul3A_2] : memref<16384xi32, #tpu.memory_space<hbm>> -> memref<128xi32, #tpu.memory_space<hbm>>
      %dma_start3A_48 = tpu.memref_slice %arg2[%mul3A_2] : memref<16384xi32, #tpu.memory_space<hbm>> -> memref<128xi32, #tpu.memory_space<hbm>>
      tpu.enqueue_dma source(%dma_start3A_48 : memref<128xi32, #tpu.memory_space<hbm>>) target(%arg12 : memref<128xi32, #tpu.memory_space<vmem>>) target_semaphore(%run_scoped3A : memref<!tpu.dma_semaphore, #tpu.memory_space<semaphore_mem>>)
      %dma_wait3A_49 = tpu.memref_slice %arg2[%mul3A_2] : memref<16384xi32, #tpu.memory_space<hbm>> -> memref<128xi32, #tpu.memory_space<hbm>>
      %dma_wait3A_50 = tpu.memref_slice %arg2[%mul3A_2] : memref<16384xi32, #tpu.memory_space<hbm>> -> memref<128xi32, #tpu.memory_space<hbm>>
      tpu.wait_dma2 semaphore(%run_scoped3A : memref<!tpu.dma_semaphore, #tpu.memory_space<semaphore_mem>>) src(%dma_wait3A_50 : memref<128xi32, #tpu.memory_space<hbm>>) dst(%arg12 : memref<128xi32, #tpu.memory_space<vmem>>)
      tpu.yield
    }) : () -> ()
    "tpu.region"() ({
      %run_scoped3A = tpu.sem_alloc : memref<!tpu.dma_semaphore, #tpu.memory_space<semaphore_mem>>
      %dma_start3A_47 = tpu.memref_slice %arg3[%mul3A_2] : memref<16384xi32, #tpu.memory_space<hbm>> -> memref<128xi32, #tpu.memory_space<hbm>>
      %dma_start3A_48 = tpu.memref_slice %arg3[%mul3A_2] : memref<16384xi32, #tpu.memory_space<hbm>> -> memref<128xi32, #tpu.memory_space<hbm>>
      tpu.enqueue_dma source(%dma_start3A_48 : memref<128xi32, #tpu.memory_space<hbm>>) target(%arg13 : memref<128xi32, #tpu.memory_space<vmem>>) target_semaphore(%run_scoped3A : memref<!tpu.dma_semaphore, #tpu.memory_space<semaphore_mem>>)
      %dma_wait3A_49 = tpu.memref_slice %arg3[%mul3A_2] : memref<16384xi32, #tpu.memory_space<hbm>> -> memref<128xi32, #tpu.memory_space<hbm>>
      %dma_wait3A_50 = tpu.memref_slice %arg3[%mul3A_2] : memref<16384xi32, #tpu.memory_space<hbm>> -> memref<128xi32, #tpu.memory_space<hbm>>
      tpu.wait_dma2 semaphore(%run_scoped3A : memref<!tpu.dma_semaphore, #tpu.memory_space<semaphore_mem>>) src(%dma_wait3A_50 : memref<128xi32, #tpu.memory_space<hbm>>) dst(%arg13 : memref<128xi32, #tpu.memory_space<vmem>>)
      tpu.yield
    }) : () -> ()
    %dma_start3A_8 = arith.constant 0 : i32
    %dma_start3A_9 = arith.constant 0 : i32
    %dma_start3A_10 = tpu.memref_slice %arg4[%dma_start3A_8, %dma_start3A_9] : memref<100000x128xf32, #tpu.memory_space<hbm>> -> memref<100000x128xf32, #tpu.memory_space<hbm>>
    tpu.enqueue_indirect_dma source(%dma_start3A_10 : memref<100000x128xf32, #tpu.memory_space<hbm>>) target(%arg14 : memref<128x128xf32, #tpu.memory_space<vmem>>) offsets(%arg12 : memref<128xi32, #tpu.memory_space<vmem>>) semaphore(%arg20 : memref<!tpu.dma_semaphore, #tpu.memory_space<semaphore_mem>>)
    %dma_wait3A = arith.constant 0 : i32
    %dma_wait3A_11 = arith.constant 0 : i32
    %dma_wait3A_12 = tpu.memref_slice %arg4[%dma_wait3A, %dma_wait3A_11] : memref<100000x128xf32, #tpu.memory_space<hbm>> -> memref<100000x128xf32, #tpu.memory_space<hbm>>
    tpu.wait_indirect_dma semaphore(%arg20 : memref<!tpu.dma_semaphore, #tpu.memory_space<semaphore_mem>>) src(%dma_wait3A_12 : memref<100000x128xf32, #tpu.memory_space<hbm>>) dst(%arg14 : memref<128x128xf32, #tpu.memory_space<vmem>>)
    %dma_start3A_13 = arith.constant 0 : i32
    %dma_start3A_14 = tpu.memref_slice %arg8[%mul3A_2, %dma_start3A_13] : memref<4096x128xf32, #tpu.memory_space<hbm>> -> memref<128x128xf32, #tpu.memory_space<hbm>>
    %dma_start3A_15 = arith.constant 0 : i32
    %dma_start3A_16 = tpu.memref_slice %arg8[%mul3A_2, %dma_start3A_15] : memref<4096x128xf32, #tpu.memory_space<hbm>> -> memref<128x128xf32, #tpu.memory_space<hbm>>
    tpu.enqueue_dma source(%arg14 : memref<128x128xf32, #tpu.memory_space<vmem>>) target(%dma_start3A_16 : memref<128x128xf32, #tpu.memory_space<hbm>>) target_semaphore(%arg21 : memref<!tpu.dma_semaphore, #tpu.memory_space<semaphore_mem>>)
    %dma_start3A_17 = arith.constant 0 : i32
    %dma_start3A_18 = arith.constant 0 : i32
    %dma_start3A_19 = tpu.memref_slice %arg5[%dma_start3A_17, %dma_start3A_18] : memref<100000x128xf32, #tpu.memory_space<hbm>> -> memref<100000x128xf32, #tpu.memory_space<hbm>>
    tpu.enqueue_indirect_dma source(%dma_start3A_19 : memref<100000x128xf32, #tpu.memory_space<hbm>>) target(%arg15 : memref<128x128xf32, #tpu.memory_space<vmem>>) offsets(%arg13 : memref<128xi32, #tpu.memory_space<vmem>>) semaphore(%arg20 : memref<!tpu.dma_semaphore, #tpu.memory_space<semaphore_mem>>)
    %dma_wait3A_20 = arith.constant 0 : i32
    %dma_wait3A_21 = arith.constant 0 : i32
    %dma_wait3A_22 = tpu.memref_slice %arg5[%dma_wait3A_20, %dma_wait3A_21] : memref<100000x128xf32, #tpu.memory_space<hbm>> -> memref<100000x128xf32, #tpu.memory_space<hbm>>
    tpu.wait_indirect_dma semaphore(%arg20 : memref<!tpu.dma_semaphore, #tpu.memory_space<semaphore_mem>>) src(%dma_wait3A_22 : memref<100000x128xf32, #tpu.memory_space<hbm>>) dst(%arg15 : memref<128x128xf32, #tpu.memory_space<vmem>>)
    %dma_start3A_23 = arith.constant 0 : i32
    %dma_start3A_24 = tpu.memref_slice %arg9[%mul3A_2, %dma_start3A_23] : memref<4096x128xf32, #tpu.memory_space<hbm>> -> memref<128x128xf32, #tpu.memory_space<hbm>>
    %dma_start3A_25 = arith.constant 0 : i32
    %dma_start3A_26 = tpu.memref_slice %arg9[%mul3A_2, %dma_start3A_25] : memref<4096x128xf32, #tpu.memory_space<hbm>> -> memref<128x128xf32, #tpu.memory_space<hbm>>
    tpu.enqueue_dma source(%arg15 : memref<128x128xf32, #tpu.memory_space<vmem>>) target(%dma_start3A_26 : memref<128x128xf32, #tpu.memory_space<hbm>>) target_semaphore(%arg22 : memref<!tpu.dma_semaphore, #tpu.memory_space<semaphore_mem>>)
    %dma_wait3A_27 = arith.constant 0 : i32
    %dma_wait3A_28 = tpu.memref_slice %arg6[%dma_wait3A_27] : memref<100000xf32, #tpu.memory_space<hbm>> -> memref<100000xf32, #tpu.memory_space<hbm>>
    tpu.wait_indirect_dma semaphore(%arg23 : memref<!tpu.dma_semaphore, #tpu.memory_space<semaphore_mem>>) src(%dma_wait3A_28 : memref<100000xf32, #tpu.memory_space<hbm>>) dst(%arg18 : memref<512xf32, #tpu.memory_space<vmem>>)
    %dma_start3A_29 = tpu.memref_slice %arg10[%mul3A_4] : memref<16384xf32, #tpu.memory_space<hbm>> -> memref<512xf32, #tpu.memory_space<hbm>>
    %dma_start3A_30 = tpu.memref_slice %arg10[%mul3A_4] : memref<16384xf32, #tpu.memory_space<hbm>> -> memref<512xf32, #tpu.memory_space<hbm>>
    tpu.enqueue_dma source(%arg18 : memref<512xf32, #tpu.memory_space<vmem>>) target(%dma_start3A_30 : memref<512xf32, #tpu.memory_space<hbm>>) target_semaphore(%arg23 : memref<!tpu.dma_semaphore, #tpu.memory_space<semaphore_mem>>)
    %dma_wait3A_31 = arith.constant 0 : i32
    %dma_wait3A_32 = tpu.memref_slice %arg7[%dma_wait3A_31] : memref<100000xf32, #tpu.memory_space<hbm>> -> memref<100000xf32, #tpu.memory_space<hbm>>
    tpu.wait_indirect_dma semaphore(%arg24 : memref<!tpu.dma_semaphore, #tpu.memory_space<semaphore_mem>>) src(%dma_wait3A_32 : memref<100000xf32, #tpu.memory_space<hbm>>) dst(%arg19 : memref<512xf32, #tpu.memory_space<vmem>>)
    %dma_start3A_33 = tpu.memref_slice %arg11[%mul3A_4] : memref<16384xf32, #tpu.memory_space<hbm>> -> memref<512xf32, #tpu.memory_space<hbm>>
    %dma_start3A_34 = tpu.memref_slice %arg11[%mul3A_4] : memref<16384xf32, #tpu.memory_space<hbm>> -> memref<512xf32, #tpu.memory_space<hbm>>
    tpu.enqueue_dma source(%arg19 : memref<512xf32, #tpu.memory_space<vmem>>) target(%dma_start3A_34 : memref<512xf32, #tpu.memory_space<hbm>>) target_semaphore(%arg24 : memref<!tpu.dma_semaphore, #tpu.memory_space<semaphore_mem>>)
    %dma_wait3A_35 = arith.constant 0 : i32
    %dma_wait3A_36 = tpu.memref_slice %arg8[%mul3A_2, %dma_wait3A_35] : memref<4096x128xf32, #tpu.memory_space<hbm>> -> memref<128x128xf32, #tpu.memory_space<hbm>>
    %dma_wait3A_37 = arith.constant 0 : i32
    %dma_wait3A_38 = tpu.memref_slice %arg8[%mul3A_2, %dma_wait3A_37] : memref<4096x128xf32, #tpu.memory_space<hbm>> -> memref<128x128xf32, #tpu.memory_space<hbm>>
    tpu.wait_dma2 semaphore(%arg21 : memref<!tpu.dma_semaphore, #tpu.memory_space<semaphore_mem>>) src(%arg14 : memref<128x128xf32, #tpu.memory_space<vmem>>) dst(%dma_wait3A_38 : memref<128x128xf32, #tpu.memory_space<hbm>>)
    %dma_wait3A_39 = arith.constant 0 : i32
    %dma_wait3A_40 = tpu.memref_slice %arg9[%mul3A_2, %dma_wait3A_39] : memref<4096x128xf32, #tpu.memory_space<hbm>> -> memref<128x128xf32, #tpu.memory_space<hbm>>
    %dma_wait3A_41 = arith.constant 0 : i32
    %dma_wait3A_42 = tpu.memref_slice %arg9[%mul3A_2, %dma_wait3A_41] : memref<4096x128xf32, #tpu.memory_space<hbm>> -> memref<128x128xf32, #tpu.memory_space<hbm>>
    tpu.wait_dma2 semaphore(%arg22 : memref<!tpu.dma_semaphore, #tpu.memory_space<semaphore_mem>>) src(%arg15 : memref<128x128xf32, #tpu.memory_space<vmem>>) dst(%dma_wait3A_42 : memref<128x128xf32, #tpu.memory_space<hbm>>)
    %dma_wait3A_43 = tpu.memref_slice %arg10[%mul3A_4] : memref<16384xf32, #tpu.memory_space<hbm>> -> memref<512xf32, #tpu.memory_space<hbm>>
    %dma_wait3A_44 = tpu.memref_slice %arg10[%mul3A_4] : memref<16384xf32, #tpu.memory_space<hbm>> -> memref<512xf32, #tpu.memory_space<hbm>>
    tpu.wait_dma2 semaphore(%arg23 : memref<!tpu.dma_semaphore, #tpu.memory_space<semaphore_mem>>) src(%arg18 : memref<512xf32, #tpu.memory_space<vmem>>) dst(%dma_wait3A_44 : memref<512xf32, #tpu.memory_space<hbm>>)
    %dma_wait3A_45 = tpu.memref_slice %arg11[%mul3A_4] : memref<16384xf32, #tpu.memory_space<hbm>> -> memref<512xf32, #tpu.memory_space<hbm>>
    %dma_wait3A_46 = tpu.memref_slice %arg11[%mul3A_4] : memref<16384xf32, #tpu.memory_space<hbm>> -> memref<512xf32, #tpu.memory_space<hbm>>
    tpu.wait_dma2 semaphore(%arg24 : memref<!tpu.dma_semaphore, #tpu.memory_space<semaphore_mem>>) src(%arg19 : memref<512xf32, #tpu.memory_space<vmem>>) dst(%dma_wait3A_46 : memref<512xf32, #tpu.memory_space<hbm>>)
    return
  }
}

module attributes {stable_mosaic.version = 14 : i64} {
  func.func @_lambda_(%arg0: i32, %arg1: memref<1024x128xf32, #tpu.memory_space<vmem>>, %arg2: memref<1024x128xf32, #tpu.memory_space<vmem>>, %arg3: memref<1024xf32, #tpu.memory_space<vmem>>, %arg4: memref<1024xf32, #tpu.memory_space<vmem>>, %arg5: memref<256x1024xf32, #tpu.memory_space<vmem>>, %arg6: memref<1x1024xf32, #tpu.memory_space<vmem>>, %arg7: memref<1024x1024xf32, #tpu.memory_space<vmem>>, %arg8: memref<1x1024xf32, #tpu.memory_space<vmem>>, %arg9: memref<1024x512xf32, #tpu.memory_space<vmem>>, %arg10: memref<1x512xf32, #tpu.memory_space<vmem>>, %arg11: memref<16384x512xf32, #tpu.memory_space<hbm>>, %arg12: memref<1024x512xf32, #tpu.memory_space<vmem>>) attributes {dimension_semantics = [#tpu.dimension_semantics<arbitrary>], iteration_bounds = array<i64: 12>, scalar_prefetch = 0 : i64, scratch_operands = 0 : i64, tpu.core_type = #tpu.core_type<tc>, window_params = [{transform_indices = @transform_0, window_bounds = array<i64: 1024, 128>}, {transform_indices = @transform_1, window_bounds = array<i64: 1024, 128>}, {transform_indices = @transform_2, window_bounds = array<i64: 1024>}, {transform_indices = @transform_3, window_bounds = array<i64: 1024>}, {pipeline_mode = #tpu.pipeline_mode<synchronous>, transform_indices = @transform_4, window_bounds = array<i64: 256, 1024>}, {pipeline_mode = #tpu.pipeline_mode<synchronous>, transform_indices = @transform_5, window_bounds = array<i64: 1, 1024>}, {pipeline_mode = #tpu.pipeline_mode<synchronous>, transform_indices = @transform_6, window_bounds = array<i64: 1024, 1024>}, {pipeline_mode = #tpu.pipeline_mode<synchronous>, transform_indices = @transform_7, window_bounds = array<i64: 1, 1024>}, {pipeline_mode = #tpu.pipeline_mode<synchronous>, transform_indices = @transform_8, window_bounds = array<i64: 1024, 512>}, {pipeline_mode = #tpu.pipeline_mode<synchronous>, transform_indices = @transform_9, window_bounds = array<i64: 1, 512>}, {}, {transform_indices = @transform_11, window_bounds = array<i64: 1024, 512>}]} {
    %get3A = arith.constant 0 : index
    %get3A_0 = arith.constant 0 : index
    %get3A_1 = vector.load %arg5[%get3A, %get3A_0] : memref<256x1024xf32, #tpu.memory_space<vmem>>, vector<256x1024xf32>
    %get3A_2 = arith.constant 0 : index
    %get3A_3 = arith.constant 0 : index
    %get3A_4 = vector.load %arg1[%get3A_2, %get3A_3] : memref<1024x128xf32, #tpu.memory_space<vmem>>, vector<1024x128xf32>
    %get3A_5 = arith.constant 0 : index
    %get3A_6 = arith.constant 0 : index
    %get3A_7 = vector.load %arg2[%get3A_5, %get3A_6] : memref<1024x128xf32, #tpu.memory_space<vmem>>, vector<1024x128xf32>
    %concatenate3A = tpu.concatenate %get3A_4, %get3A_7 in 1 : vector<1024x128xf32>, vector<1024x128xf32> -> vector<1024x256xf32>
    %dot_general3A = arith.constant dense<0.000000e+00> : vector<1024x1024xf32>
    %dot_general3A_8 = tpu.matmul %concatenate3A, %get3A_1, %dot_general3A {dimension_numbers = #tpu.dot_dimension_numbers<[1], [0], [0], [1], [0, 0, 1, 1], [], []>, transpose_lhs_hint = false} : vector<1024x256xf32>, vector<256x1024xf32>, vector<1024x1024xf32> -> vector<1024x1024xf32>
    %slice3A = vector.extract_strided_slice %get3A_1 {offsets = [0, 0], sizes = [128, 1024], strides = [1, 1]} : vector<256x1024xf32> to vector<128x1024xf32>
    %reduce_sum3A = arith.constant dense<0.000000e+00> : vector<1024xf32>
    %reduce_sum3A_9 = vector.multi_reduction <add>, %slice3A, %reduce_sum3A [0] : vector<128x1024xf32> to vector<1024xf32>
    %broadcast_in_dim3A = vector.shape_cast %reduce_sum3A_9 : vector<1024xf32> to vector<1x1024xf32>
    %slice3A_10 = vector.extract_strided_slice %get3A_1 {offsets = [128, 0], sizes = [128, 1024], strides = [1, 1]} : vector<256x1024xf32> to vector<128x1024xf32>
    %reduce_sum3A_11 = arith.constant dense<0.000000e+00> : vector<1024xf32>
    %reduce_sum3A_12 = vector.multi_reduction <add>, %slice3A_10, %reduce_sum3A_11 [0] : vector<128x1024xf32> to vector<1024xf32>
    %broadcast_in_dim3A_13 = vector.shape_cast %reduce_sum3A_12 : vector<1024xf32> to vector<1x1024xf32>
    %get3A_14 = arith.constant 0 : index
    %get3A_15 = vector.load %arg3[%get3A_14] : memref<1024xf32, #tpu.memory_space<vmem>>, vector<1024xf32>
    %reshape3A = vector.shape_cast %get3A_15 : vector<1024xf32> to vector<1024x1xf32>
    %get3A_16 = arith.constant 0 : index
    %get3A_17 = vector.load %arg4[%get3A_16] : memref<1024xf32, #tpu.memory_space<vmem>>, vector<1024xf32>
    %reshape3A_18 = vector.shape_cast %get3A_17 : vector<1024xf32> to vector<1024x1xf32>
    %get3A_19 = arith.constant 0 : index
    %get3A_20 = arith.constant 0 : index
    %get3A_21 = vector.load %arg6[%get3A_19, %get3A_20] : memref<1x1024xf32, #tpu.memory_space<vmem>>, vector<1x1024xf32>
    %add3A = vector.broadcast %get3A_21 : vector<1x1024xf32> to vector<1024x1024xf32>
    %add3A_22 = arith.addf %dot_general3A_8, %add3A : vector<1024x1024xf32>
    %mul3A = vector.broadcast %reshape3A : vector<1024x1xf32> to vector<1024x1024xf32>
    %mul3A_23 = vector.broadcast %broadcast_in_dim3A : vector<1x1024xf32> to vector<1024x1024xf32>
    %mul3A_24 = arith.mulf %mul3A, %mul3A_23 : vector<1024x1024xf32>
    %add3A_25 = arith.addf %add3A_22, %mul3A_24 : vector<1024x1024xf32>
    %mul3A_26 = vector.broadcast %reshape3A_18 : vector<1024x1xf32> to vector<1024x1024xf32>
    %mul3A_27 = vector.broadcast %broadcast_in_dim3A_13 : vector<1x1024xf32> to vector<1024x1024xf32>
    %mul3A_28 = arith.mulf %mul3A_26, %mul3A_27 : vector<1024x1024xf32>
    %add3A_29 = arith.addf %add3A_25, %mul3A_28 : vector<1024x1024xf32>
    %max3A = arith.constant 0.000000e+00 : f32
    %max3A_30 = vector.broadcast %max3A : f32 to vector<1024x1024xf32>
    %max3A_31 = arith.maximumf %add3A_29, %max3A_30 : vector<1024x1024xf32>
    %get3A_32 = arith.constant 0 : index
    %get3A_33 = arith.constant 0 : index
    %get3A_34 = vector.load %arg7[%get3A_32, %get3A_33] : memref<1024x1024xf32, #tpu.memory_space<vmem>>, vector<1024x1024xf32>
    %dot_general3A_35 = arith.constant dense<0.000000e+00> : vector<1024x1024xf32>
    %dot_general3A_36 = tpu.matmul %max3A_31, %get3A_34, %dot_general3A_35 {dimension_numbers = #tpu.dot_dimension_numbers<[1], [0], [0], [1], [0, 0, 1, 1], [], []>, transpose_lhs_hint = false} : vector<1024x1024xf32>, vector<1024x1024xf32>, vector<1024x1024xf32> -> vector<1024x1024xf32>
    %get3A_37 = arith.constant 0 : index
    %get3A_38 = arith.constant 0 : index
    %get3A_39 = vector.load %arg8[%get3A_37, %get3A_38] : memref<1x1024xf32, #tpu.memory_space<vmem>>, vector<1x1024xf32>
    %add3A_40 = vector.broadcast %get3A_39 : vector<1x1024xf32> to vector<1024x1024xf32>
    %add3A_41 = arith.addf %dot_general3A_36, %add3A_40 : vector<1024x1024xf32>
    %max3A_42 = arith.constant 0.000000e+00 : f32
    %max3A_43 = vector.broadcast %max3A_42 : f32 to vector<1024x1024xf32>
    %max3A_44 = arith.maximumf %add3A_41, %max3A_43 : vector<1024x1024xf32>
    %get3A_45 = arith.constant 0 : index
    %get3A_46 = arith.constant 0 : index
    %get3A_47 = vector.load %arg9[%get3A_45, %get3A_46] : memref<1024x512xf32, #tpu.memory_space<vmem>>, vector<1024x512xf32>
    %dot_general3A_48 = arith.constant dense<0.000000e+00> : vector<1024x512xf32>
    %dot_general3A_49 = tpu.matmul %max3A_44, %get3A_47, %dot_general3A_48 {dimension_numbers = #tpu.dot_dimension_numbers<[1], [0], [0], [1], [0, 0, 1, 1], [], []>, transpose_lhs_hint = false} : vector<1024x1024xf32>, vector<1024x512xf32>, vector<1024x512xf32> -> vector<1024x512xf32>
    %get3A_50 = arith.constant 0 : index
    %get3A_51 = arith.constant 0 : index
    %get3A_52 = vector.load %arg10[%get3A_50, %get3A_51] : memref<1x512xf32, #tpu.memory_space<vmem>>, vector<1x512xf32>
    %add3A_53 = vector.broadcast %get3A_52 : vector<1x512xf32> to vector<1024x512xf32>
    %add3A_54 = arith.addf %dot_general3A_49, %add3A_53 : vector<1024x512xf32>
    %max3A_55 = arith.constant 0.000000e+00 : f32
    %max3A_56 = vector.broadcast %max3A_55 : f32 to vector<1024x512xf32>
    %max3A_57 = arith.maximumf %add3A_54, %max3A_56 : vector<1024x512xf32>
    %swap3A = arith.constant 0 : index
    %swap3A_58 = arith.constant 0 : index
    %swap3A_59 = vector.load %arg12[%swap3A, %swap3A_58] : memref<1024x512xf32, #tpu.memory_space<vmem>>, vector<1024x512xf32>
    tpu.vector_store %arg12[%swap3A, %swap3A_58], %max3A_57 {strides = array<i32>} : memref<1024x512xf32, #tpu.memory_space<vmem>>, vector<1024x512xf32>,
    return
  }
  func.func @transform_0(%arg0: i32) -> (i32, i32) {
    %c0_i32 = arith.constant 0 : i32
    %c0_i32_0 = arith.constant 0 : i32
    return %arg0, %c0_i32 : i32, i32
  }
  func.func @transform_1(%arg0: i32) -> (i32, i32) {
    %c0_i32 = arith.constant 0 : i32
    %c0_i32_0 = arith.constant 0 : i32
    return %arg0, %c0_i32 : i32, i32
  }
  func.func @transform_2(%arg0: i32) -> i32 {
    %add3A = arith.constant 4 : i32
    %add3A_0 = arith.addi %arg0, %add3A : i32
    %c0_i32 = arith.constant 0 : i32
    return %add3A_0 : i32
  }
  func.func @transform_3(%arg0: i32) -> i32 {
    %add3A = arith.constant 4 : i32
    %add3A_0 = arith.addi %arg0, %add3A : i32
    %c0_i32 = arith.constant 0 : i32
    return %add3A_0 : i32
  }
  func.func @transform_4(%arg0: i32) -> (i32, i32) {
    %c0_i32 = arith.constant 0 : i32
    %c0_i32_0 = arith.constant 0 : i32
    %c0_i32_1 = arith.constant 0 : i32
    return %c0_i32, %c0_i32_0 : i32, i32
  }
  func.func @transform_5(%arg0: i32) -> (i32, i32) {
    %c0_i32 = arith.constant 0 : i32
    %c0_i32_0 = arith.constant 0 : i32
    %c0_i32_1 = arith.constant 0 : i32
    return %c0_i32, %c0_i32_0 : i32, i32
  }
  func.func @transform_6(%arg0: i32) -> (i32, i32) {
    %c0_i32 = arith.constant 0 : i32
    %c0_i32_0 = arith.constant 0 : i32
    %c0_i32_1 = arith.constant 0 : i32
    return %c0_i32, %c0_i32_0 : i32, i32
  }
  func.func @transform_7(%arg0: i32) -> (i32, i32) {
    %c0_i32 = arith.constant 0 : i32
    %c0_i32_0 = arith.constant 0 : i32
    %c0_i32_1 = arith.constant 0 : i32
    return %c0_i32, %c0_i32_0 : i32, i32
  }
  func.func @transform_8(%arg0: i32) -> (i32, i32) {
    %c0_i32 = arith.constant 0 : i32
    %c0_i32_0 = arith.constant 0 : i32
    %c0_i32_1 = arith.constant 0 : i32
    return %c0_i32, %c0_i32_0 : i32, i32
  }
  func.func @transform_9(%arg0: i32) -> (i32, i32) {
    %c0_i32 = arith.constant 0 : i32
    %c0_i32_0 = arith.constant 0 : i32
    %c0_i32_1 = arith.constant 0 : i32
    return %c0_i32, %c0_i32_0 : i32, i32
  }
  func.func @transform_11(%arg0: i32) -> (i32, i32) {
    %add3A = arith.constant 4 : i32
    %add3A_0 = arith.addi %arg0, %add3A : i32
    %c0_i32 = arith.constant 0 : i32
    %c0_i32_1 = arith.constant 0 : i32
    return %add3A_0, %c0_i32 : i32, i32
  }
}

module attributes {stable_mosaic.version = 14 : i64} {
  func.func @_mlp_body(%arg0: i32, %arg1: memref<1024x128xf32, #tpu.memory_space<vmem>>, %arg2: memref<1024x128xf32, #tpu.memory_space<vmem>>, %arg3: memref<1024xf32, #tpu.memory_space<vmem>>, %arg4: memref<1024xf32, #tpu.memory_space<vmem>>, %arg5: memref<256x1024xf32, #tpu.memory_space<vmem>>, %arg6: memref<1x1024xf32, #tpu.memory_space<vmem>>, %arg7: memref<1024x1024xf32, #tpu.memory_space<vmem>>, %arg8: memref<1x1024xf32, #tpu.memory_space<vmem>>, %arg9: memref<1024x512xf32, #tpu.memory_space<vmem>>, %arg10: memref<1x512xf32, #tpu.memory_space<vmem>>, %arg11: memref<1024x512xf32, #tpu.memory_space<vmem>>) attributes {dimension_semantics = [#tpu.dimension_semantics<arbitrary>], iteration_bounds = array<i64: 4>, scalar_prefetch = 0 : i64, scratch_operands = 0 : i64, tpu.core_type = #tpu.core_type<tc>, window_params = [{transform_indices = @transform_0, window_bounds = array<i64: 1024, 128>}, {transform_indices = @transform_1, window_bounds = array<i64: 1024, 128>}, {transform_indices = @transform_2, window_bounds = array<i64: 1024>}, {transform_indices = @transform_3, window_bounds = array<i64: 1024>}, {pipeline_mode = #tpu.pipeline_mode<synchronous>, transform_indices = @transform_4, window_bounds = array<i64: 256, 1024>}, {pipeline_mode = #tpu.pipeline_mode<synchronous>, transform_indices = @transform_5, window_bounds = array<i64: 1, 1024>}, {pipeline_mode = #tpu.pipeline_mode<synchronous>, transform_indices = @transform_6, window_bounds = array<i64: 1024, 1024>}, {pipeline_mode = #tpu.pipeline_mode<synchronous>, transform_indices = @transform_7, window_bounds = array<i64: 1, 1024>}, {pipeline_mode = #tpu.pipeline_mode<synchronous>, transform_indices = @transform_8, window_bounds = array<i64: 1024, 512>}, {pipeline_mode = #tpu.pipeline_mode<synchronous>, transform_indices = @transform_9, window_bounds = array<i64: 1, 512>}, {transform_indices = @transform_10, window_bounds = array<i64: 1024, 512>}]} {
    %get3A = arith.constant 0 : index
    %get3A_0 = arith.constant 0 : index
    %get3A_1 = vector.load %arg5[%get3A, %get3A_0] : memref<256x1024xf32, #tpu.memory_space<vmem>>, vector<256x1024xf32>
    %get3A_2 = arith.constant 0 : index
    %get3A_3 = arith.constant 0 : index
    %get3A_4 = vector.load %arg1[%get3A_2, %get3A_3] : memref<1024x128xf32, #tpu.memory_space<vmem>>, vector<1024x128xf32>
    %get3A_5 = arith.constant 0 : index
    %get3A_6 = arith.constant 0 : index
    %get3A_7 = vector.load %arg2[%get3A_5, %get3A_6] : memref<1024x128xf32, #tpu.memory_space<vmem>>, vector<1024x128xf32>
    %concatenate3A = tpu.concatenate %get3A_4, %get3A_7 in 1 : vector<1024x128xf32>, vector<1024x128xf32> -> vector<1024x256xf32>
    %dot_general3A = arith.constant dense<0.000000e+00> : vector<1024x1024xf32>
    %dot_general3A_8 = tpu.matmul %concatenate3A, %get3A_1, %dot_general3A {dimension_numbers = #tpu.dot_dimension_numbers<[1], [0], [0], [1], [0, 0, 1, 1], [], []>, transpose_lhs_hint = false} : vector<1024x256xf32>, vector<256x1024xf32>, vector<1024x1024xf32> -> vector<1024x1024xf32>
    %slice3A = vector.extract_strided_slice %get3A_1 {offsets = [0, 0], sizes = [128, 1024], strides = [1, 1]} : vector<256x1024xf32> to vector<128x1024xf32>
    %reduce_sum3A = arith.constant dense<0.000000e+00> : vector<1024xf32>
    %reduce_sum3A_9 = vector.multi_reduction <add>, %slice3A, %reduce_sum3A [0] : vector<128x1024xf32> to vector<1024xf32>
    %broadcast_in_dim3A = vector.shape_cast %reduce_sum3A_9 : vector<1024xf32> to vector<1x1024xf32>
    %slice3A_10 = vector.extract_strided_slice %get3A_1 {offsets = [128, 0], sizes = [128, 1024], strides = [1, 1]} : vector<256x1024xf32> to vector<128x1024xf32>
    %reduce_sum3A_11 = arith.constant dense<0.000000e+00> : vector<1024xf32>
    %reduce_sum3A_12 = vector.multi_reduction <add>, %slice3A_10, %reduce_sum3A_11 [0] : vector<128x1024xf32> to vector<1024xf32>
    %broadcast_in_dim3A_13 = vector.shape_cast %reduce_sum3A_12 : vector<1024xf32> to vector<1x1024xf32>
    %get3A_14 = arith.constant 0 : index
    %get3A_15 = vector.load %arg3[%get3A_14] : memref<1024xf32, #tpu.memory_space<vmem>>, vector<1024xf32>
    %reshape3A = vector.shape_cast %get3A_15 : vector<1024xf32> to vector<1024x1xf32>
    %get3A_16 = arith.constant 0 : index
    %get3A_17 = vector.load %arg4[%get3A_16] : memref<1024xf32, #tpu.memory_space<vmem>>, vector<1024xf32>
    %reshape3A_18 = vector.shape_cast %get3A_17 : vector<1024xf32> to vector<1024x1xf32>
    %get3A_19 = arith.constant 0 : index
    %get3A_20 = arith.constant 0 : index
    %get3A_21 = vector.load %arg6[%get3A_19, %get3A_20] : memref<1x1024xf32, #tpu.memory_space<vmem>>, vector<1x1024xf32>
    %add3A = vector.broadcast %get3A_21 : vector<1x1024xf32> to vector<1024x1024xf32>
    %add3A_22 = arith.addf %dot_general3A_8, %add3A : vector<1024x1024xf32>
    %mul3A = vector.broadcast %reshape3A : vector<1024x1xf32> to vector<1024x1024xf32>
    %mul3A_23 = vector.broadcast %broadcast_in_dim3A : vector<1x1024xf32> to vector<1024x1024xf32>
    %mul3A_24 = arith.mulf %mul3A, %mul3A_23 : vector<1024x1024xf32>
    %add3A_25 = arith.addf %add3A_22, %mul3A_24 : vector<1024x1024xf32>
    %mul3A_26 = vector.broadcast %reshape3A_18 : vector<1024x1xf32> to vector<1024x1024xf32>
    %mul3A_27 = vector.broadcast %broadcast_in_dim3A_13 : vector<1x1024xf32> to vector<1024x1024xf32>
    %mul3A_28 = arith.mulf %mul3A_26, %mul3A_27 : vector<1024x1024xf32>
    %add3A_29 = arith.addf %add3A_25, %mul3A_28 : vector<1024x1024xf32>
    %max3A = arith.constant 0.000000e+00 : f32
    %max3A_30 = vector.broadcast %max3A : f32 to vector<1024x1024xf32>
    %max3A_31 = arith.maximumf %add3A_29, %max3A_30 : vector<1024x1024xf32>
    %get3A_32 = arith.constant 0 : index
    %get3A_33 = arith.constant 0 : index
    %get3A_34 = vector.load %arg7[%get3A_32, %get3A_33] : memref<1024x1024xf32, #tpu.memory_space<vmem>>, vector<1024x1024xf32>
    %dot_general3A_35 = arith.constant dense<0.000000e+00> : vector<1024x1024xf32>
    %dot_general3A_36 = tpu.matmul %max3A_31, %get3A_34, %dot_general3A_35 {dimension_numbers = #tpu.dot_dimension_numbers<[1], [0], [0], [1], [0, 0, 1, 1], [], []>, transpose_lhs_hint = false} : vector<1024x1024xf32>, vector<1024x1024xf32>, vector<1024x1024xf32> -> vector<1024x1024xf32>
    %get3A_37 = arith.constant 0 : index
    %get3A_38 = arith.constant 0 : index
    %get3A_39 = vector.load %arg8[%get3A_37, %get3A_38] : memref<1x1024xf32, #tpu.memory_space<vmem>>, vector<1x1024xf32>
    %add3A_40 = vector.broadcast %get3A_39 : vector<1x1024xf32> to vector<1024x1024xf32>
    %add3A_41 = arith.addf %dot_general3A_36, %add3A_40 : vector<1024x1024xf32>
    %max3A_42 = arith.constant 0.000000e+00 : f32
    %max3A_43 = vector.broadcast %max3A_42 : f32 to vector<1024x1024xf32>
    %max3A_44 = arith.maximumf %add3A_41, %max3A_43 : vector<1024x1024xf32>
    %get3A_45 = arith.constant 0 : index
    %get3A_46 = arith.constant 0 : index
    %get3A_47 = vector.load %arg9[%get3A_45, %get3A_46] : memref<1024x512xf32, #tpu.memory_space<vmem>>, vector<1024x512xf32>
    %dot_general3A_48 = arith.constant dense<0.000000e+00> : vector<1024x512xf32>
    %dot_general3A_49 = tpu.matmul %max3A_44, %get3A_47, %dot_general3A_48 {dimension_numbers = #tpu.dot_dimension_numbers<[1], [0], [0], [1], [0, 0, 1, 1], [], []>, transpose_lhs_hint = false} : vector<1024x1024xf32>, vector<1024x512xf32>, vector<1024x512xf32> -> vector<1024x512xf32>
    %get3A_50 = arith.constant 0 : index
    %get3A_51 = arith.constant 0 : index
    %get3A_52 = vector.load %arg10[%get3A_50, %get3A_51] : memref<1x512xf32, #tpu.memory_space<vmem>>, vector<1x512xf32>
    %add3A_53 = vector.broadcast %get3A_52 : vector<1x512xf32> to vector<1024x512xf32>
    %add3A_54 = arith.addf %dot_general3A_49, %add3A_53 : vector<1024x512xf32>
    %max3A_55 = arith.constant 0.000000e+00 : f32
    %max3A_56 = vector.broadcast %max3A_55 : f32 to vector<1024x512xf32>
    %max3A_57 = arith.maximumf %add3A_54, %max3A_56 : vector<1024x512xf32>
    %swap3A = arith.constant 0 : index
    %swap3A_58 = arith.constant 0 : index
    %swap3A_59 = vector.load %arg11[%swap3A, %swap3A_58] : memref<1024x512xf32, #tpu.memory_space<vmem>>, vector<1024x512xf32>
    tpu.vector_store %arg11[%swap3A, %swap3A_58], %max3A_57 {strides = array<i32>} : memref<1024x512xf32, #tpu.memory_space<vmem>>, vector<1024x512xf32>,
    return
  }
  func.func @transform_0(%arg0: i32) -> (i32, i32) {
    %c0_i32 = arith.constant 0 : i32
    %c0_i32_0 = arith.constant 0 : i32
    return %arg0, %c0_i32 : i32, i32
  }
  func.func @transform_1(%arg0: i32) -> (i32, i32) {
    %c0_i32 = arith.constant 0 : i32
    %c0_i32_0 = arith.constant 0 : i32
    return %arg0, %c0_i32 : i32, i32
  }
  func.func @transform_2(%arg0: i32) -> i32 {
    %add3A = arith.constant 0 : i32
    %add3A_0 = arith.addi %arg0, %add3A : i32
    %c0_i32 = arith.constant 0 : i32
    return %add3A_0 : i32
  }
  func.func @transform_3(%arg0: i32) -> i32 {
    %add3A = arith.constant 0 : i32
    %add3A_0 = arith.addi %arg0, %add3A : i32
    %c0_i32 = arith.constant 0 : i32
    return %add3A_0 : i32
  }
  func.func @transform_4(%arg0: i32) -> (i32, i32) {
    %c0_i32 = arith.constant 0 : i32
    %c0_i32_0 = arith.constant 0 : i32
    %c0_i32_1 = arith.constant 0 : i32
    return %c0_i32, %c0_i32_0 : i32, i32
  }
  func.func @transform_5(%arg0: i32) -> (i32, i32) {
    %c0_i32 = arith.constant 0 : i32
    %c0_i32_0 = arith.constant 0 : i32
    %c0_i32_1 = arith.constant 0 : i32
    return %c0_i32, %c0_i32_0 : i32, i32
  }
  func.func @transform_6(%arg0: i32) -> (i32, i32) {
    %c0_i32 = arith.constant 0 : i32
    %c0_i32_0 = arith.constant 0 : i32
    %c0_i32_1 = arith.constant 0 : i32
    return %c0_i32, %c0_i32_0 : i32, i32
  }
  func.func @transform_7(%arg0: i32) -> (i32, i32) {
    %c0_i32 = arith.constant 0 : i32
    %c0_i32_0 = arith.constant 0 : i32
    %c0_i32_1 = arith.constant 0 : i32
    return %c0_i32, %c0_i32_0 : i32, i32
  }
  func.func @transform_8(%arg0: i32) -> (i32, i32) {
    %c0_i32 = arith.constant 0 : i32
    %c0_i32_0 = arith.constant 0 : i32
    %c0_i32_1 = arith.constant 0 : i32
    return %c0_i32, %c0_i32_0 : i32, i32
  }
  func.func @transform_9(%arg0: i32) -> (i32, i32) {
    %c0_i32 = arith.constant 0 : i32
    %c0_i32_0 = arith.constant 0 : i32
    %c0_i32_1 = arith.constant 0 : i32
    return %c0_i32, %c0_i32_0 : i32, i32
  }
  func.func @transform_10(%arg0: i32) -> (i32, i32) {
    %add3A = arith.constant 0 : i32
    %add3A_0 = arith.addi %arg0, %add3A : i32
    %c0_i32 = arith.constant 0 : i32
    %c0_i32_1 = arith.constant 0 : i32
    return %add3A_0, %c0_i32 : i32, i32
  }
}

</mosaic_0001>

<sc_bundles>
// kernel: kernel.6.cloned.1.call-start
scs
__scs_entry_jumppad:
0x0: {  	(pc) =	sbr.rel $0x88, $3  }
0x1: {  	(tag) =	ssettag $0x0;
	lr =	simm.s32 $0x1  }
0x2: {  	[smem:$0x3F95] =	sst lr;
	_ =	strace $0xD0000000  }
0x3: {  	_ = 	snop  }
0x4: {  	_ = 	snop  }
0x5: {  	_ = 	snop  }
0x6: {  	_ = 	snop  }
0x7: {  	_ = 	snop  }
__scs_overlays_trampoline_lowered:
0x8: {  	[smem:$0x3FA4] =	sst s0  }
0x9: {  	[smem:$0x3FA5] =	sst s1  }
0xa: {  	[smem:$0x3FA6] =	sst s2  }
0xb: {  	[smem:$0x3FA7] =	sst s3  }
0xc: {  	[smem:$0x3FA8] =	sst s4  }
0xd: {  	[smem:$0x3FA9] =	sst s5  }
0xe: {  	[smem:$0x3FAA] =	sst s6  }
0xf: {  	[smem:$0x3FAB] =	sst s7  }
0x10: {  	[smem:$0x3FAC] =	sst s8  }
0x11: {  	[smem:$0x3FAD] =	sst s9;
	s0 =	simm.s32 @!p0 $0x0  }
0x12: {  	s1 =	sld [smem:$0x3F93];
	s0 =	simm.s32 @p0 $0x1  }
0x13: {  	[smem:$0x3FAE] =	sst s0;
	s0 =	simm.s32 @!p1 $0x0  }
0x14: {  	s2 =	sld [smem:$0x3F92];
	s0 =	simm.s32 @p1 $0x1  }
0x15: {  	[smem:$0x3FAF] =	sst s0;
	s0 =	simm.s32 @!p2 $0x0  }
0x16: {  	s3 =	sld [smem:$0x3FDB];
	s0 =	simm.s32 @p2 $0x1  }
0x17: {  	s4 =	simm.s32 $0x1BF5;
	[smem:$0x3FB1] =	sst s0  }
0x18: {  	s0 =	sld [smem:$0x3F94];
	_ =	swait.ge [sflag:s4], $0x0  }
0x19: {  	s7 =	sld [smem:$0x3F95]  }
0x1a: {  	s8 =	sadd.s32 $0xFFFFE003, lr  }
0x1b: {  	s9 =	sadd.s32 $0xFFFFFEF7, lr;
	s5 =	simm.s32 $0xFFFFFFFF;
	p2 =	slt.u32 s8, $0xFFFFF086  }
0x1c: {  	p1 =	slt.u32 s9, $0xF7A;
	s5 =	simm.s32 @!p2 $0x0  }
0x1d: {  	s5 =	simm.s32 @p1 $0x1;
	p0 =	seq.s32 s7, s2  }
0x1e: {  	s7 =	smul.u32 @!p0 $0xF7A, s2;
	p2 =	seq.s32 @!p0 s5, $0x0  }
0x1f: {  	s9 =	smul.u32 $0xF7A, s1;
	s8 =	simm.s32 @!p0 $0x1BF5;
	p2 =	por !p2, p0  }
0x20: {  	[sflag:s8] =	ssyncset.s32 @!p0 $0xFFFFF086;
	s6 =	sadd.s32 @!p0 s3, s7;
	s7 =	simm.s32 @!p0 $0x108  }
0x21: {  	s3 =	sadd.s32 s3, s9;
	s6 =	sadd.s32 @!p0 $0x88, s6;
	s7 =	simm.s32 @p2 $0x1082  }
0x22: {  	[simem:s7], [sflag:s8] =	dma.local @!p0 [hbm:s6], $0xF7A  }
0x23: {  	s9 =	sor.u32 $0xD0000000, s2;
	s6 =	simm.s32 $0x108;
	_ =	swait.ge @!p0 [sflag:s8], $0x0  }
0x24: {  	s3 =	sadd.s32 $0x88, s3;
	s6 =	simm.s32 @!p1 $0x1082;
	[sflag:s4] =	ssyncset.s32 $0xFFFFF086  }
0x25: {  	[simem:s6], [sflag:s4] =	dma.local [hbm:s3], $0xF7A  }
0x26: {  	[smem:$0x3F95] =	sst s1;
	(tag) =	ssettag s2;
	_ =	strace s9  }
0x27: {  	s1 =	sld [smem:$0x3FA5]  }
0x28: {  	s2 =	sld [smem:$0x3FA6]  }
0x29: {  	s4 =	sld [smem:$0x3FA8]  }
0x2a: {  	p0 =	seq.s32 s5, $0x0;
	s5 =	sld [smem:$0x3FA9]  }
0x2b: {  	s6 =	sld [smem:$0x3FAA]  }
0x2c: {  	s7 =	sld [smem:$0x3FAB]  }
0x2d: {  	s3 =	simm.s32 $0x108;
	s8 =	sld [smem:$0x3FAC]  }
0x2e: {  	s3 =	simm.s32 @!p0 $0x1082;
	s9 =	sld [smem:$0x3FAD]  }
0x2f: {  	lr =	sadd.s32 s0, s3;
	s0 =	sld [smem:$0x3FA4]  }
0x30: {  	s3 =	sld [smem:$0x3FA7]  }
0x31: {  	[smem:$0x3FB0] =	sst s10  }
0x32: {  	s10 =	sld [smem:$0x3FAE];
	_ =	sdelay $0x3  }
0x33: {  	p0 =	seq.s32 s10, $0x1;
	s10 =	sld [smem:$0x3FB0];
	_ =	sdelay $0x3  }
0x34: {  	[smem:$0x3FB0] =	sst s10  }
0x35: {  	s10 =	sld [smem:$0x3FAF];
	_ =	sdelay $0x3  }
0x36: {  	p1 =	seq.s32 s10, $0x1;
	s10 =	sld [smem:$0x3FB0];
	_ =	sdelay $0x3  }
0x37: {  	[smem:$0x3FB0] =	sst s10  }
0x38: {  	s10 =	sld [smem:$0x3FB1]  }
0x39: {  	_ = 	snop;
	(pc) =	sbr.ind lr, $3  }
0x3a: {  	_ = 	snop  }
0x3b: {  	_ = 	snop  }
0x3c: {  	p2 =	seq.s32 s10, $0x1;
	s10 =	sld [smem:$0x3FB0]  }
0x3d: {  	_ =	shalt  }
0x3e: {  	_ =	shalt  }
0x3f: {  	_ =	shalt  }
0x40: {  	_ =	shalt  }
0x41: {  	_ =	shalt  }
0x42: {  	_ =	shalt  }
0x43: {  	_ =	shalt  }
0x44: {  	_ =	shalt  }
0x45: {  	_ =	shalt  }
0x46: {  	_ =	shalt  }
0x47: {  	_ =	shalt  }
0x48: {  	_ =	shalt  }
0x49: {  	_ =	shalt  }
0x4a: {  	_ =	shalt  }
0x4b: {  	_ =	shalt  }
0x4c: {  	_ =	shalt  }
0x4d: {  	_ =	shalt  }
0x4e: {  	_ =	shalt  }
0x4f: {  	_ =	shalt  }
0x50: {  	_ =	shalt  }
0x51: {  	_ =	shalt  }
0x52: {  	_ =	shalt  }
0x53: {  	_ =	shalt  }
0x54: {  	_ =	shalt  }
0x55: {  	_ =	shalt  }
0x56: {  	_ =	shalt  }
0x57: {  	_ =	shalt  }
0x58: {  	_ =	shalt  }
0x59: {  	_ =	shalt  }
0x5a: {  	_ =	shalt  }
0x5b: {  	_ =	shalt  }
0x5c: {  	_ =	shalt  }
0x5d: {  	_ =	shalt  }
0x5e: {  	_ =	shalt  }
0x5f: {  	_ =	shalt  }
0x60: {  	_ =	shalt  }
0x61: {  	_ =	shalt  }
0x62: {  	_ =	shalt  }
0x63: {  	_ =	shalt  }
0x64: {  	_ =	shalt  }
0x65: {  	_ =	shalt  }
0x66: {  	_ =	shalt  }
0x67: {  	_ =	shalt  }
0x68: {  	_ =	shalt  }
0x69: {  	_ =	shalt  }
0x6a: {  	_ =	shalt  }
0x6b: {  	_ =	shalt  }
0x6c: {  	_ =	shalt  }
0x6d: {  	_ =	shalt  }
0x6e: {  	_ =	shalt  }
0x6f: {  	_ =	shalt  }
0x70: {  	_ =	shalt  }
0x71: {  	_ =	shalt  }
0x72: {  	_ =	shalt  }
0x73: {  	_ =	shalt  }
0x74: {  	_ =	shalt  }
0x75: {  	_ =	shalt  }
0x76: {  	_ =	shalt  }
0x77: {  	_ =	shalt  }
0x78: {  	_ =	shalt  }
0x79: {  	_ =	shalt  }
0x7a: {  	_ =	shalt  }
0x7b: {  	_ =	shalt  }
0x7c: {  	_ =	shalt  }
0x7d: {  	_ =	shalt  }
0x7e: {  	_ =	shalt  }
0x7f: {  	_ =	shalt  }
0x80: {  	_ =	shalt  }
0x81: {  	_ =	shalt  }
0x82: {  	_ =	shalt  }
0x83: {  	_ =	shalt  }
0x84: {  	_ =	shalt  }
0x85: {  	_ =	shalt  }
0x86: {  	_ =	shalt  }
0x87: {  	_ =	shalt  }
.Lfunc_end0:
.L_simem_size_0:
called_computation_lowered:
.L_overlay_start_0:
0x88: {  	s2 =	sld [smem:$0x3FD9]  }
0x89: {  	s3 =	sld [smem:$0x3FFE];
	_ =	sdelay $0x1  }
0x8a: {  	s1 =	srdreg.scid  }
0x8b: {  	s0 =	sand.u32 $0x1, s1  }
0x8c: {  	s17 =	sshll.u32 s0, $0xA;
	s2 =	sadd.s32 s3, s2  }
0x8d: {  	s2 =	sadd.s32 s2, s17  }
0x8e: {  	[smem:$0x3FBC] =	sst s2  }
0x8f: {  	_ = 	snop  }
0x90: {  	s2 =	sld [smem:$0x3FC9]  }
0x91: {  	s18 =	sld [smem:$0x3FC8]  }
0x92: {  	s4 =	sld [smem:$0x3FC7]  }
0x93: {  	s5 =	sld [smem:$0x3FC6]  }
0x94: {  	s6 =	sld [smem:$0x3FD0];
	(tm) =	ssettm $0x1  }
0x95: {  	s7 =	sld [smem:$0x3FFB];
	_ =	sdelay $0x3  }
0x96: {  	_ =	strace s7  }
0x97: {  	s7 =	sld [smem:$0x3FFC];
	_ =	sdelay $0x3  }
0x98: {  	_ =	strace s7  }
0x99: {  	s7 =	sld [smem:$0x3FFD];
	_ =	sdelay $0x3  }
0x9a: {  	_ =	strace s7  }
0x9b: {  	_ =	strace $0x8FFFFFFF  }
0x9c: {  	s19 =	sld [smem:$0x3FDB];
	_ =	sdelay $0x1  }
0x9d: {  	s8 =	simm.s32 $_scs_section_size  }
0x9e: {  	s9 =	simm.s32 $_size__tile_overlayer_lowered;
	s10 =	simm.s32 $_tile_overlayer_lowered  }
0x9f: {  	s22 =	simm.s32 $0x1BFF;
	s21 =	sshll.u32 s10, $0x1;
	s7 =	sadd.s32 s8, s19  }
0xa0: {  	s11 =	simm.s32 $0x0;
	s20 =	sshll.u32 s9, $0x1;
	s9 =	sadd.s32 s21, s7  }
0xa1: {  	[timem:s11], [sflag:s22] =	dma.local [hbm:s9], s20  }
0xa2: {  	_ =	swait.ge [sflag:s22], s20  }
0xa3: {  	s8 =	ssub.s32 $0x0, s20;
	[sflag:s22] =	ssyncset.done $0x0  }
0xa4: {  	[sflag:s22] =	ssyncadd.s32 s8;
	_ =	sdelay $0x1  }
0xa5: {  	s23 =	simm.s32 $0x1B8B  }
0xa6: {  	_ =	swait.ge [sflag:s23], $0x1  }
0xa7: {  	[sflag:s23] =	ssyncset.done $0x0  }
0xa8: {  	s25 =	simm.s32 $0x1B8E;
	s24 =	sld [smem:$0x3FFE];
	[sflag:s23] =	ssyncadd.s32 $0xFFFFFFFF  }
0xa9: {  	s26 =	simm.s32 $execute0_lowered;
	[smem:$0x3FD2] =	sst s25  }
0xaa: {  	s9 =	sshll.u32 s26, $0x1;
	_ =	strace $0x80000046;
	[dreg:$0x1] =	wrdreg $0xFFFFFFFF  }
0xab: {  	s28 =	simm.s32 $_size_execute0_lowered;
	s7 =	sadd.s32 s7, s9;
	[dreg:$0x0] =	wrdreg $0x0  }
0xac: {  	s9 =	sshll.u32 s28, $0x1;
	[dreg:$0x2] =	wrdreg s7  }
0xad: {  	[dreg:$0x3] =	wrdreg s9  }
0xae: {  	[dreg:$0x4] =	wrdreg $0xC0  }
0xaf: {  	_ =	task [dreg:s11], $0x5FFFF  }
0xb0: {  	[dreg:$0x1] =	wrdreg $0xFFFFFFFF  }
0xb1: {  	[dreg:$0x0] =	wrdreg $0x60  }
0xb2: {  	[dreg:$0x2] =	wrdreg s2  }
0xb3: {  	[dreg:$0x3] =	wrdreg s18  }
0xb4: {  	[dreg:$0x4] =	wrdreg s4  }
0xb5: {  	[dreg:$0x5] =	wrdreg s5  }
0xb6: {  	[dreg:$0x6] =	wrdreg s24  }
0xb7: {  	[dreg:$0x7] =	wrdreg s6  }
0xb8: {  	[dreg:$0x8] =	wrdreg $0x9  }
0xb9: {  	_ =	task.clear_ibuf [dreg:s11], $0x9FFFF;
	_ =	strace $0x90000046  }
0xba: {  	s29 =	simm.s32 $0x9;
	_ =	strace $0x80000048  }
0xbb: {  	_ =	swait.ge [sflag:s29], $0x1  }
0xbc: {  	[sflag:s29] =	ssyncadd.s32 $0xFFFFFFFF  }
0xbd: {  	_ =	strace $0x90000048  }
0xbe: {  	_ =	sfence  }
0xbf: {  	s30 =	sld [smem:$0x0];
	_ =	sdelay $0x2  }
0xc0: {  	s31 =	sshll.u32 s1, $0xD;
	s1 =	sshrl.u32 s1, $0x2  }
0xc1: {  	s3 =	sand.u32 $0x4000, s31;
	s1 =	sadd.s32 s1, s30  }
0xc2: {  	s0 =	sor.u32 s3, s0;
	s1 =	sshll.u32 s1, $0x11  }
0xc3: {  	s0 =	sor.u32 s1, s0  }
0xc4: {  	s0 =	sadd.s32 $0x8F2B, s0  }
0xc5: {  	[sflag:s0] =	ssyncadd.remote.s32 $0x1  }
0xc6: {  	_ =	sfence.sel $0xFFFF  }
0xc7: {  	[dreg:$0x0] =	wrdreg $0xFFFFFFFF;
	(pc) =	sbr.abs _section_cstart, $3  }
0xc8: {  	[dreg:$0x1] =	wrdreg $0xFFFFFFFF  }
0xc9: {  	_ =	task.clear_ibuf [dreg:s11], $0x2FFFF;
	_ =	strace $0x9FFFFFFF  }
0xca: {  	(tm) =	ssettm $0x7FFFFFFF  }
0xcb: {  	_ =	shalt  }
tec
execute0_lowered:
.L_overlay_start_1:
0x0: {  	(tag) =	ssettag $0x1  }
0x1: {  	s15 =	rddreg [dreg:$0x0]  }
0x2: {  	s16 =	rddreg [dreg:$0x1]  }
0x3: {  	s1 =	rddreg [dreg:$0x2]  }
0x4: {  	s3 =	rddreg [dreg:$0x3]  }
0x5: {  	s24 =	rddreg [dreg:$0x4]  }
0x6: {  	s5 =	srdreg.scid;
	s2 =	stileid.u32  }
0x7: {  	s20 =	rddreg [dreg:$0x5];
	s30 =	sand.u32 $0x1, s5;
	s31 =	sshll.u32 s2, $0x1  }
0x8: {  	s0 =	rddreg [dreg:$0x6];
	s4 =	simm.s32 $0x0;
	s21 =	sor.u32 s30, s31  }
0x9: {  	s6 =	simm.s32 $0x8100;
	[smem:$0x7FF] =	sst s4;
	s25 =	sshll.u32 s21, $0x6  }
0xa: {  	s7 =	simm.s32 $0x6;
	_ =	strace $0x80000047;
	s5 =	sadd.s32 s15, s25  }
0xb: {  	[tilespmem:s6], [sflag:$0x6] =	stream.linear.gather [hbm4b:s5+s4], $0x200, $0x38;
	[tilespmem:$0x8900] =	vst v63  }
0xc: {  	_ =	swait.ge [sflag:s7], $0x200  }
0xd: {  	[sflag:s7] =	ssyncset.done $0x0  }
0xe: {  	s9 =	simm.s32 $0x8300;
	s8 =	sadd.s32 s16, s25;
	[sflag:s7] =	ssyncadd.s32 $0xFFFFFE00  }
0xf: {  	[tilespmem:s9], [sflag:$0x6] =	stream.linear.gather [hbm4b:s8+s4], $0x200, $0x38;
	[tilespmem:$0x8900] =	vst v63  }
0x10: {  	_ =	swait.ge [sflag:s7], $0x200  }
0x11: {  	s11 =	simm.s32 $0x200;
	[sflag:s7] =	ssyncset.done $0x0  }
0x12: {  	s12 =	simm.s32 $0x8500;
	s10 =	sadd.s32 $0x2000, s24;
	[sflag:s7] =	ssyncadd.s32 $0xFFFFFE00  }
0x13: {  	[tilespmem:s12], [sflag:$0x4] =	stream.indirect.gather [hbm4b:s10+s11], $0x1, s6, s11, $0xb8;
	[tilespmem:$0x8900] =	vst v63  }
0x14: {  	s14 =	simm.s32 $0x8700;
	s13 =	sadd.s32 $0x5200, s24;
	s17 =	sshll.u32 s21, $0x4  }
0x15: {  	[tilespmem:s14], [sflag:$0x5] =	stream.indirect.gather [hbm4b:s13+s11], $0x1, s9, s11, $0xb8;
	[tilespmem:$0x8900] =	vst v63  }
0x16: {  	s15 =	sadd.s32 s15, s17  }
0x17: {  	[tilespmem:s4], [sflag:$0x6] =	stream.linear.gather [hbm4b:s15+s4], $0x80, $0x38;
	[tilespmem:$0x8900] =	vst v63  }
0x18: {  	_ =	swait.ge [sflag:s7], $0x80  }
0x19: {  	[sflag:s7] =	ssyncset.done $0x0  }
0x1a: {  	s16 =	sadd.s32 s16, s17;
	s17 =	simm.s32 $0x80;
	[sflag:s7] =	ssyncadd.s32 $0xFFFFFF80  }
0x1b: {  	[tilespmem:s17], [sflag:$0x6] =	stream.linear.gather [hbm4b:s16+s4], $0x80, $0x38;
	[tilespmem:$0x8900] =	vst v63  }
0x1c: {  	_ =	swait.ge [sflag:s7], $0x80  }
0x1d: {  	[sflag:s7] =	ssyncset.done $0x0  }
0x1e: {  	s18 =	simm.s32 $0x100;
	s19 =	simm.s32 $0x1;
	[sflag:s7] =	ssyncadd.s32 $0xFFFFFF80  }
0x1f: {  	[tilespmem:s18], [sflag:$0x1] =	stream.indirect.gather [hbm4b:s1+s17], $0x80, s4, s17, $0xb8;
	[tilespmem:$0x8900] =	vst v63  }
0x20: {  	_ =	swait.ge [sflag:s19], $0x4000  }
0x21: {  	s22 =	sshll.u32 s21, $0xB;
	[sflag:s19] =	ssyncset.done $0x0  }
0x22: {  	s20 =	sadd.s32 s20, s22;
	[sflag:s19] =	ssyncadd.s32 $0xFFFFC000  }
0x23: {  	[hbm4b:s20+s4] =	stream.linear.scatter [tilespmem:s18], [sflag:$0x2], $0x4000, $0x38;
	[tilespmem:$0x8900] =	vst v63  }
0x24: {  	s21 =	simm.s32 $0x4100  }
0x25: {  	[tilespmem:s21], [sflag:$0x1] =	stream.indirect.gather [hbm4b:s3+s17], $0x80, s17, s17, $0xb8;
	[tilespmem:$0x8900] =	vst v63  }
0x26: {  	_ =	swait.ge [sflag:s19], $0x4000  }
0x27: {  	s22 =	sadd.s32 s22, s24;
	[sflag:s19] =	ssyncset.done $0x0  }
0x28: {  	s23 =	simm.s32 $0x4;
	s22 =	sadd.s32 $0x8400, s22;
	[sflag:s19] =	ssyncadd.s32 $0xFFFFC000  }
0x29: {  	[hbm4b:s22+s4] =	stream.linear.scatter [tilespmem:s21], [sflag:$0x3], $0x4000, $0x38;
	[tilespmem:$0x8900] =	vst v63  }
0x2a: {  	_ =	swait.ge [sflag:s23], $0x200  }
0x2b: {  	s26 =	sadd.s32 s25, s24;
	[sflag:s23] =	ssyncset.done $0x0  }
0x2c: {  	s25 =	simm.s32 $0x5;
	s24 =	sadd.s32 $0x18C00, s26;
	[sflag:s23] =	ssyncadd.s32 $0xFFFFFE00  }
0x2d: {  	[hbm4b:s24+s4] =	stream.linear.scatter [tilespmem:s12], [sflag:$0x4], $0x200, $0x38;
	[tilespmem:$0x8900] =	vst v63  }
0x2e: {  	_ =	swait.ge [sflag:s25], $0x200  }
0x2f: {  	[sflag:s25] =	ssyncset.done $0x0  }
0x30: {  	s28 =	simm.s32 $0x2;
	s26 =	sadd.s32 $0x18400, s26;
	[sflag:s25] =	ssyncadd.s32 $0xFFFFFE00  }
0x31: {  	[hbm4b:s26+s4] =	stream.linear.scatter [tilespmem:s14], [sflag:$0x5], $0x200, $0x38;
	[tilespmem:$0x8900] =	vst v63  }
0x32: {  	_ =	swait.ge [sflag:s28], $0x4000  }
0x33: {  	s30 =	ssub.s32 $0x2, s30;
	[sflag:s28] =	ssyncset.done $0x0  }
0x34: {  	s29 =	simm.s32 $0x3;
	s31 =	sshrl.u32 s30, $0x1;
	[sflag:s28] =	ssyncadd.s32 $0xFFFFC000  }
0x35: {  	s30 =	ssub.s32 s30, s31;
	_ =	swait.ge [sflag:s29], $0x4000  }
0x36: {  	s30 =	smax.u32 s30, $0x1;
	[sflag:s29] =	ssyncset.done $0x0  }
0x37: {  	p0 =	sne.s32 s30, $0x1;
	[sflag:s29] =	ssyncadd.s32 $0xFFFFC000  }
.Ltmp0:
0x38: {  	_ =	swait.ge [sflag:s23], $0x200;
	(pc) =	sbr.rel @!p0 .LBB2_2-.Ltmp0, $4  }
0x39: {  	[sflag:s23] =	ssyncset.done $0x0  }
0x3a: {  	[sflag:s23] =	ssyncadd.s32 $0xFFFFFE00  }
0x3b: {  	_ =	swait.ge [sflag:s25], $0x200  }
0x3c: {  	s30 =	sadd.s32 $0xFFFFFFFF, s30;
	[sflag:s25] =	ssyncset.done $0x0  }
.LBB2_1:
0x3d: {  	p0 =	sne.s32 s30, $0x1;
	s30 =	sadd.s32 $0xFFFFFFFF, s30;
	[sflag:s25] =	ssyncadd.s32 $0xFFFFFE00  }
0x3e: {  	[tilespmem:s6], [sflag:$0x6] =	stream.linear.gather [hbm4b:s5+s4], $0x200, $0x38;
	[tilespmem:$0x8900] =	vst v63  }
0x3f: {  	_ =	swait.ge [sflag:s7], $0x200  }
0x40: {  	[sflag:s7] =	ssyncset.done $0x0  }
0x41: {  	[sflag:s7] =	ssyncadd.s32 $0xFFFFFE00  }
0x42: {  	[tilespmem:s9], [sflag:$0x6] =	stream.linear.gather [hbm4b:s8+s4], $0x200, $0x38;
	[tilespmem:$0x8900] =	vst v63  }
0x43: {  	_ =	swait.ge [sflag:s7], $0x200  }
0x44: {  	[sflag:s7] =	ssyncset.done $0x0  }
0x45: {  	[sflag:s7] =	ssyncadd.s32 $0xFFFFFE00  }
0x46: {  	[tilespmem:s12], [sflag:$0x4] =	stream.indirect.gather [hbm4b:s10+s11], $0x1, s6, s11, $0xb8;
	[tilespmem:$0x8900] =	vst v63  }
0x47: {  	_ = 	snop  }
0x48: {  	[tilespmem:s14], [sflag:$0x5] =	stream.indirect.gather [hbm4b:s13+s11], $0x1, s9, s11, $0xb8;
	[tilespmem:$0x8900] =	vst v63  }
0x49: {  	_ = 	snop  }
0x4a: {  	[tilespmem:s4], [sflag:$0x6] =	stream.linear.gather [hbm4b:s15+s4], $0x80, $0x38;
	[tilespmem:$0x8900] =	vst v63  }
0x4b: {  	_ =	swait.ge [sflag:s7], $0x80  }
0x4c: {  	[sflag:s7] =	ssyncset.done $0x0  }
0x4d: {  	[sflag:s7] =	ssyncadd.s32 $0xFFFFFF80  }
0x4e: {  	[tilespmem:s17], [sflag:$0x6] =	stream.linear.gather [hbm4b:s16+s4], $0x80, $0x38;
	[tilespmem:$0x8900] =	vst v63  }
0x4f: {  	_ =	swait.ge [sflag:s7], $0x80  }
0x50: {  	[sflag:s7] =	ssyncset.done $0x0  }
0x51: {  	[sflag:s7] =	ssyncadd.s32 $0xFFFFFF80  }
0x52: {  	[tilespmem:s18], [sflag:$0x1] =	stream.indirect.gather [hbm4b:s1+s17], $0x80, s4, s17, $0xb8;
	[tilespmem:$0x8900] =	vst v63  }
0x53: {  	_ =	swait.ge [sflag:s19], $0x4000  }
0x54: {  	[sflag:s19] =	ssyncset.done $0x0  }
0x55: {  	[sflag:s19] =	ssyncadd.s32 $0xFFFFC000  }
0x56: {  	[hbm4b:s20+s4] =	stream.linear.scatter [tilespmem:s18], [sflag:$0x2], $0x4000, $0x38;
	[tilespmem:$0x8900] =	vst v63  }
0x57: {  	_ = 	snop  }
0x58: {  	[tilespmem:s21], [sflag:$0x1] =	stream.indirect.gather [hbm4b:s3+s17], $0x80, s17, s17, $0xb8;
	[tilespmem:$0x8900] =	vst v63  }
0x59: {  	_ =	swait.ge [sflag:s19], $0x4000  }
0x5a: {  	[sflag:s19] =	ssyncset.done $0x0  }
0x5b: {  	[sflag:s19] =	ssyncadd.s32 $0xFFFFC000  }
0x5c: {  	[hbm4b:s22+s4] =	stream.linear.scatter [tilespmem:s21], [sflag:$0x3], $0x4000, $0x38;
	[tilespmem:$0x8900] =	vst v63  }
0x5d: {  	_ =	swait.ge [sflag:s23], $0x200  }
0x5e: {  	[sflag:s23] =	ssyncset.done $0x0  }
0x5f: {  	[sflag:s23] =	ssyncadd.s32 $0xFFFFFE00  }
0x60: {  	[hbm4b:s24+s4] =	stream.linear.scatter [tilespmem:s12], [sflag:$0x4], $0x200, $0x38;
	[tilespmem:$0x8900] =	vst v63  }
0x61: {  	_ =	swait.ge [sflag:s25], $0x200  }
0x62: {  	[sflag:s25] =	ssyncset.done $0x0  }
0x63: {  	[sflag:s25] =	ssyncadd.s32 $0xFFFFFE00  }
0x64: {  	[hbm4b:s26+s4] =	stream.linear.scatter [tilespmem:s14], [sflag:$0x5], $0x200, $0x38;
	[tilespmem:$0x8900] =	vst v63  }
0x65: {  	_ =	swait.ge [sflag:s28], $0x4000  }
0x66: {  	[sflag:s28] =	ssyncset.done $0x0  }
0x67: {  	[sflag:s28] =	ssyncadd.s32 $0xFFFFC000  }
0x68: {  	_ =	swait.ge [sflag:s29], $0x4000  }
0x69: {  	[sflag:s29] =	ssyncset.done $0x0  }
0x6a: {  	[sflag:s29] =	ssyncadd.s32 $0xFFFFC000  }
.Ltmp1:
0x6b: {  	_ =	swait.ge [sflag:s23], $0x200;
	(pc) =	sbr.rel @p0 .LBB2_1-.Ltmp1, $4  }
0x6c: {  	[sflag:s23] =	ssyncset.done $0x0  }
0x6d: {  	[sflag:s23] =	ssyncadd.s32 $0xFFFFFE00  }
0x6e: {  	_ =	swait.ge [sflag:s25], $0x200  }
0x6f: {  	[sflag:s25] =	ssyncset.done $0x0  }
.LBB2_2:
0x70: {  	[sflag:s25] =	ssyncadd.s32 $0xFFFFFE00  }
0x71: {  	_ =	sfence.sel $0x180000  }
0x72: {  	[bflag:$0x0] =	sbarrier.arrive $0xFFFF  }
0x73: {  	p0 =	sne.s32 s2, $0x0;
	_ =	strace $0x90000047  }
0x74: {  	s0 =	sadd.s32 @!p0 $0x100000, s0;
	[bflag:$0x2] =	sbarrier.arrive $0xFFFF  }
0x75: {  	[sflag:s0] =	ssyncadd.tile.s32 @!p0 $0x1;
	_ =	shalt  }
.Lfunc_end2:
_tile_overlayer_lowered:
.L_overlay_start_2:
0x76: {  	(tag) =	ssettag $0x2  }
0x77: {  	s0 =	rddreg [dreg:$0x0];
	s2 =	stileid.u32  }
0x78: {  	s1 =	rddreg [dreg:$0x1];
	p0 =	sne.s32 s2, $0x0  }
0x79: {  	s3 =	rddreg [dreg:$0x2];
	[bflag:$0x3] =	sbarrier.arrive $0xFFFF;
	s2 =	simm.s32 @!p0 $0x1C06  }
0x7a: {  	[timem:s3], [sflag:s2] =	dma.local @!p0 [hbm:s0], s1  }
0x7b: {  	s0 =	simm.s32 @!p0 $0x6  }
0x7c: {  	_ =	swait.ge @!p0 [sflag:s0], s1  }
0x7d: {  	s1 =	ssub.s32 @!p0 $0x0, s1;
	[sflag:s0] =	ssyncset.done @!p0 $0x0  }
0x7e: {  	[sflag:s0] =	ssyncadd.s32 @!p0 s1  }
0x7f: {  	[bflag:$0x3] =	sbarrier.arrive $0xFFFF  }
0x80: {  	_ =	shalt  }

// kernel: kernel.9.cloned.1.call-start
scs
__scs_entry_jumppad:
0x0: {  	(pc) =	sbr.rel $0x88, $3  }
0x1: {  	(tag) =	ssettag $0x0;
	lr =	simm.s32 $0x1  }
0x2: {  	[smem:$0x3F95] =	sst lr;
	_ =	strace $0xD0000000  }
0x3: {  	_ = 	snop  }
0x4: {  	_ = 	snop  }
0x5: {  	_ = 	snop  }
0x6: {  	_ = 	snop  }
0x7: {  	_ = 	snop  }
__scs_overlays_trampoline_lowered:
0x8: {  	[smem:$0x3FA4] =	sst s0  }
0x9: {  	[smem:$0x3FA5] =	sst s1  }
0xa: {  	[smem:$0x3FA6] =	sst s2  }
0xb: {  	[smem:$0x3FA7] =	sst s3  }
0xc: {  	[smem:$0x3FA8] =	sst s4  }
0xd: {  	[smem:$0x3FA9] =	sst s5  }
0xe: {  	[smem:$0x3FAA] =	sst s6  }
0xf: {  	[smem:$0x3FAB] =	sst s7  }
0x10: {  	[smem:$0x3FAC] =	sst s8  }
0x11: {  	[smem:$0x3FAD] =	sst s9;
	s0 =	simm.s32 @!p0 $0x0  }
0x12: {  	s1 =	sld [smem:$0x3F93];
	s0 =	simm.s32 @p0 $0x1  }
0x13: {  	[smem:$0x3FAE] =	sst s0;
	s0 =	simm.s32 @!p1 $0x0  }
0x14: {  	s2 =	sld [smem:$0x3F92];
	s0 =	simm.s32 @p1 $0x1  }
0x15: {  	[smem:$0x3FAF] =	sst s0;
	s0 =	simm.s32 @!p2 $0x0  }
0x16: {  	s3 =	sld [smem:$0x3FDB];
	s0 =	simm.s32 @p2 $0x1  }
0x17: {  	s4 =	simm.s32 $0x1BF5;
	[smem:$0x3FB1] =	sst s0  }
0x18: {  	s0 =	sld [smem:$0x3F94];
	_ =	swait.ge [sflag:s4], $0x0  }
0x19: {  	s7 =	sld [smem:$0x3F95]  }
0x1a: {  	s8 =	sadd.s32 $0xFFFFE003, lr  }
0x1b: {  	s9 =	sadd.s32 $0xFFFFFEF7, lr;
	s5 =	simm.s32 $0xFFFFFFFF;
	p2 =	slt.u32 s8, $0xFFFFF086  }
0x1c: {  	p1 =	slt.u32 s9, $0xF7A;
	s5 =	simm.s32 @!p2 $0x0  }
0x1d: {  	s5 =	simm.s32 @p1 $0x1;
	p0 =	seq.s32 s7, s2  }
0x1e: {  	s7 =	smul.u32 @!p0 $0xF7A, s2;
	p2 =	seq.s32 @!p0 s5, $0x0  }
0x1f: {  	s9 =	smul.u32 $0xF7A, s1;
	s8 =	simm.s32 @!p0 $0x1BF5;
	p2 =	por !p2, p0  }
0x20: {  	[sflag:s8] =	ssyncset.s32 @!p0 $0xFFFFF086;
	s6 =	sadd.s32 @!p0 s3, s7;
	s7 =	simm.s32 @!p0 $0x108  }
0x21: {  	s3 =	sadd.s32 s3, s9;
	s6 =	sadd.s32 @!p0 $0x88, s6;
	s7 =	simm.s32 @p2 $0x1082  }
0x22: {  	[simem:s7], [sflag:s8] =	dma.local @!p0 [hbm:s6], $0xF7A  }
0x23: {  	s9 =	sor.u32 $0xD0000000, s2;
	s6 =	simm.s32 $0x108;
	_ =	swait.ge @!p0 [sflag:s8], $0x0  }
0x24: {  	s3 =	sadd.s32 $0x88, s3;
	s6 =	simm.s32 @!p1 $0x1082;
	[sflag:s4] =	ssyncset.s32 $0xFFFFF086  }
0x25: {  	[simem:s6], [sflag:s4] =	dma.local [hbm:s3], $0xF7A  }
0x26: {  	[smem:$0x3F95] =	sst s1;
	(tag) =	ssettag s2;
	_ =	strace s9  }
0x27: {  	s1 =	sld [smem:$0x3FA5]  }
0x28: {  	s2 =	sld [smem:$0x3FA6]  }
0x29: {  	s4 =	sld [smem:$0x3FA8]  }
0x2a: {  	p0 =	seq.s32 s5, $0x0;
	s5 =	sld [smem:$0x3FA9]  }
0x2b: {  	s6 =	sld [smem:$0x3FAA]  }
0x2c: {  	s7 =	sld [smem:$0x3FAB]  }
0x2d: {  	s3 =	simm.s32 $0x108;
	s8 =	sld [smem:$0x3FAC]  }
0x2e: {  	s3 =	simm.s32 @!p0 $0x1082;
	s9 =	sld [smem:$0x3FAD]  }
0x2f: {  	lr =	sadd.s32 s0, s3;
	s0 =	sld [smem:$0x3FA4]  }
0x30: {  	s3 =	sld [smem:$0x3FA7]  }
0x31: {  	[smem:$0x3FB0] =	sst s10  }
0x32: {  	s10 =	sld [smem:$0x3FAE];
	_ =	sdelay $0x3  }
0x33: {  	p0 =	seq.s32 s10, $0x1;
	s10 =	sld [smem:$0x3FB0];
	_ =	sdelay $0x3  }
0x34: {  	[smem:$0x3FB0] =	sst s10  }
0x35: {  	s10 =	sld [smem:$0x3FAF];
	_ =	sdelay $0x3  }
0x36: {  	p1 =	seq.s32 s10, $0x1;
	s10 =	sld [smem:$0x3FB0];
	_ =	sdelay $0x3  }
0x37: {  	[smem:$0x3FB0] =	sst s10  }
0x38: {  	s10 =	sld [smem:$0x3FB1]  }
0x39: {  	_ = 	snop;
	(pc) =	sbr.ind lr, $3  }
0x3a: {  	_ = 	snop  }
0x3b: {  	_ = 	snop  }
0x3c: {  	p2 =	seq.s32 s10, $0x1;
	s10 =	sld [smem:$0x3FB0]  }
0x3d: {  	_ =	shalt  }
0x3e: {  	_ =	shalt  }
0x3f: {  	_ =	shalt  }
0x40: {  	_ =	shalt  }
0x41: {  	_ =	shalt  }
0x42: {  	_ =	shalt  }
0x43: {  	_ =	shalt  }
0x44: {  	_ =	shalt  }
0x45: {  	_ =	shalt  }
0x46: {  	_ =	shalt  }
0x47: {  	_ =	shalt  }
0x48: {  	_ =	shalt  }
0x49: {  	_ =	shalt  }
0x4a: {  	_ =	shalt  }
0x4b: {  	_ =	shalt  }
0x4c: {  	_ =	shalt  }
0x4d: {  	_ =	shalt  }
0x4e: {  	_ =	shalt  }
0x4f: {  	_ =	shalt  }
0x50: {  	_ =	shalt  }
0x51: {  	_ =	shalt  }
0x52: {  	_ =	shalt  }
0x53: {  	_ =	shalt  }
0x54: {  	_ =	shalt  }
0x55: {  	_ =	shalt  }
0x56: {  	_ =	shalt  }
0x57: {  	_ =	shalt  }
0x58: {  	_ =	shalt  }
0x59: {  	_ =	shalt  }
0x5a: {  	_ =	shalt  }
0x5b: {  	_ =	shalt  }
0x5c: {  	_ =	shalt  }
0x5d: {  	_ =	shalt  }
0x5e: {  	_ =	shalt  }
0x5f: {  	_ =	shalt  }
0x60: {  	_ =	shalt  }
0x61: {  	_ =	shalt  }
0x62: {  	_ =	shalt  }
0x63: {  	_ =	shalt  }
0x64: {  	_ =	shalt  }
0x65: {  	_ =	shalt  }
0x66: {  	_ =	shalt  }
0x67: {  	_ =	shalt  }
0x68: {  	_ =	shalt  }
0x69: {  	_ =	shalt  }
0x6a: {  	_ =	shalt  }
0x6b: {  	_ =	shalt  }
0x6c: {  	_ =	shalt  }
0x6d: {  	_ =	shalt  }
0x6e: {  	_ =	shalt  }
0x6f: {  	_ =	shalt  }
0x70: {  	_ =	shalt  }
0x71: {  	_ =	shalt  }
0x72: {  	_ =	shalt  }
0x73: {  	_ =	shalt  }
0x74: {  	_ =	shalt  }
0x75: {  	_ =	shalt  }
0x76: {  	_ =	shalt  }
0x77: {  	_ =	shalt  }
0x78: {  	_ =	shalt  }
0x79: {  	_ =	shalt  }
0x7a: {  	_ =	shalt  }
0x7b: {  	_ =	shalt  }
0x7c: {  	_ =	shalt  }
0x7d: {  	_ =	shalt  }
0x7e: {  	_ =	shalt  }
0x7f: {  	_ =	shalt  }
0x80: {  	_ =	shalt  }
0x81: {  	_ =	shalt  }
0x82: {  	_ =	shalt  }
0x83: {  	_ =	shalt  }
0x84: {  	_ =	shalt  }
0x85: {  	_ =	shalt  }
0x86: {  	_ =	shalt  }
0x87: {  	_ =	shalt  }
.Lfunc_end0:
.L_simem_size_0:
called_computation.1_lowered:
.L_overlay_start_0:
0x88: {  	s2 =	sld [smem:$0x3FD9]  }
0x89: {  	s3 =	sld [smem:$0x3FFE];
	_ =	sdelay $0x1  }
0x8a: {  	s1 =	srdreg.scid  }
0x8b: {  	s0 =	sand.u32 $0x1, s1  }
0x8c: {  	s17 =	sshll.u32 s0, $0xA;
	s2 =	sadd.s32 s3, s2  }
0x8d: {  	s2 =	sadd.s32 s2, s17  }
0x8e: {  	[smem:$0x3FBC] =	sst s2  }
0x8f: {  	_ = 	snop  }
0x90: {  	s18 =	sld [smem:$0x3FC9]  }
0x91: {  	s4 =	sld [smem:$0x3FC8]  }
0x92: {  	s5 =	sld [smem:$0x3FC7]  }
0x93: {  	s6 =	sld [smem:$0x3FC6];
	(tm) =	ssettm $0x1  }
0x94: {  	s19 =	sld [smem:$0x3FFB];
	_ =	sdelay $0x3  }
0x95: {  	_ =	strace s19  }
0x96: {  	s2 =	sld [smem:$0x3FFC];
	_ =	sdelay $0x3  }
0x97: {  	_ =	strace s2  }
0x98: {  	s2 =	sld [smem:$0x3FFD];
	_ =	sdelay $0x3  }
0x99: {  	_ =	strace s2  }
0x9a: {  	_ =	strace $0x8FFFFFFF  }
0x9b: {  	s20 =	sld [smem:$0x3FDB];
	_ =	sdelay $0x1  }
0x9c: {  	s7 =	simm.s32 $_scs_section_size  }
0x9d: {  	s8 =	simm.s32 $_size__tile_overlayer_lowered;
	s9 =	simm.s32 $_tile_overlayer_lowered  }
0x9e: {  	s10 =	simm.s32 $0x1BFF;
	s21 =	sshll.u32 s9, $0x1;
	s7 =	sadd.s32 s7, s20  }
0x9f: {  	s22 =	simm.s32 $0x0;
	s8 =	sshll.u32 s8, $0x1;
	s9 =	sadd.s32 s21, s7  }
0xa0: {  	[timem:s22], [sflag:s10] =	dma.local [hbm:s9], s8  }
0xa1: {  	_ =	swait.ge [sflag:s10], s8  }
0xa2: {  	s8 =	ssub.s32 $0x0, s8;
	[sflag:s10] =	ssyncset.done $0x0  }
0xa3: {  	[sflag:s10] =	ssyncadd.s32 s8;
	_ =	sdelay $0x1  }
0xa4: {  	s23 =	simm.s32 $0x1B8B  }
0xa5: {  	_ =	swait.ge [sflag:s23], $0x1  }
0xa6: {  	[sflag:s23] =	ssyncset.done $0x0  }
0xa7: {  	[sflag:s23] =	ssyncadd.s32 $0xFFFFFFFF  }
0xa8: {  	s8 =	sld [smem:$0x0]  }
0xa9: {  	s9 =	sand.u32 $0xFFFFFFFE, s1  }
0xaa: {  	p0 =	sne.s32 s1, s9  }
0xab: {  	s9 =	sshll.u32 @p0 s9, $0xE  }
0xac: {  	s9 =	sadd.s32 @p0 $0x11B8D, s9;
	s10 =	sshll.u32 @p0 s8, $0x11  }
0xad: {  	s9 =	sor.u32 @p0 s10, s9  }
0xae: {  	[sflag:s9] =	ssyncadd.remote.s32 @p0 $0x1;
	_ =	sdelay $0x1  }
0xaf: {  	s9 =	simm.s32 @p0 $0x1B8D  }
0xb0: {  	_ =	swait.eq @p0 [sflag:s9], $0x1  }
0xb1: {  	[sflag:s9] =	ssyncadd.s32 @p0 $0xFFFFFFFF  }
0xb2: {  	s10 =	sshll.u32 @!p0 s1, $0xE  }
0xb3: {  	s10 =	sor.u32 @!p0 $0x4000, s10;
	s9 =	simm.s32 @!p0 $0x1B8D  }
0xb4: {  	s8 =	sshll.u32 @!p0 s8, $0x11;
	s10 =	sadd.s32 @!p0 $0x11B8D, s10;
	_ =	swait.eq @!p0 [sflag:s9], $0x1  }
0xb5: {  	s8 =	sor.u32 @!p0 s8, s10;
	[sflag:s9] =	ssyncadd.s32 @!p0 $0xFFFFFFFF  }
0xb6: {  	s25 =	simm.s32 $0x1B8E;
	s24 =	sld [smem:$0x3FFE];
	[sflag:s8] =	ssyncadd.remote.s32 @!p0 $0x1  }
0xb7: {  	s26 =	simm.s32 $execute0_lowered;
	[smem:$0x3FD2] =	sst s25  }
0xb8: {  	s9 =	sshll.u32 s26, $0x1;
	_ =	strace $0x80000049;
	[dreg:$0x1] =	wrdreg $0xFFFFFFFF  }
0xb9: {  	s28 =	simm.s32 $_size_execute0_lowered;
	s7 =	sadd.s32 s7, s9;
	[dreg:$0x0] =	wrdreg $0x0  }
0xba: {  	s9 =	sshll.u32 s28, $0x1;
	[dreg:$0x2] =	wrdreg s7  }
0xbb: {  	[dreg:$0x3] =	wrdreg s9  }
0xbc: {  	[dreg:$0x4] =	wrdreg $0xC0  }
0xbd: {  	_ =	task [dreg:s22], $0x5FFFF  }
0xbe: {  	[dreg:$0x1] =	wrdreg $0xFFFFFFFF  }
0xbf: {  	[dreg:$0x0] =	wrdreg $0x60  }
0xc0: {  	[dreg:$0x2] =	wrdreg s18  }
0xc1: {  	[dreg:$0x3] =	wrdreg s4  }
0xc2: {  	[dreg:$0x4] =	wrdreg s5  }
0xc3: {  	[dreg:$0x5] =	wrdreg s6  }
0xc4: {  	[dreg:$0x6] =	wrdreg s24  }
0xc5: {  	[dreg:$0x7] =	wrdreg $0xA  }
0xc6: {  	_ =	task.clear_ibuf [dreg:s22], $0x8FFFF;
	_ =	strace $0x90000049  }
0xc7: {  	s29 =	simm.s32 $0xA;
	_ =	strace $0x8000004B  }
0xc8: {  	_ =	swait.ge [sflag:s29], $0x1  }
0xc9: {  	[sflag:s29] =	ssyncadd.s32 $0xFFFFFFFF  }
0xca: {  	_ =	strace $0x9000004B  }
0xcb: {  	_ =	sfence  }
0xcc: {  	s30 =	sld [smem:$0x0];
	_ =	sdelay $0x2  }
0xcd: {  	s31 =	sshll.u32 s1, $0xD;
	s1 =	sshrl.u32 s1, $0x2  }
0xce: {  	s4 =	sand.u32 $0x4000, s31;
	s1 =	sadd.s32 s1, s30  }
0xcf: {  	s0 =	sor.u32 s4, s0;
	s1 =	sshll.u32 s1, $0x11  }
0xd0: {  	s0 =	sor.u32 s1, s0  }
0xd1: {  	s0 =	sadd.s32 $0x8F2B, s0  }
0xd2: {  	[sflag:s0] =	ssyncadd.remote.s32 $0x1  }
0xd3: {  	_ =	sfence.sel $0xFFFF  }
0xd4: {  	[dreg:$0x0] =	wrdreg $0xFFFFFFFF;
	(pc) =	sbr.abs _section_cstart, $3  }
0xd5: {  	[dreg:$0x1] =	wrdreg $0xFFFFFFFF  }
0xd6: {  	_ =	task.clear_ibuf [dreg:s22], $0x2FFFF;
	_ =	strace $0x9FFFFFFF  }
0xd7: {  	(tm) =	ssettm $0x7FFFFFFF  }
tec
execute0_lowered:
.L_overlay_start_1:
0x0: {  	(tag) =	ssettag $0x1  }
0x1: {  	s5 =	rddreg [dreg:$0x0]  }
0x2: {  	s1 =	srdreg.scid;
	s0 =	stileid.u32  }
0x3: {  	s7 =	rddreg [dreg:$0x1];
	s13 =	sand.u32 $0x1, s1;
	s31 =	sshll.u32 s0, $0x1  }
0x4: {  	s2 =	rddreg [dreg:$0x2];
	s9 =	sor.u32 s13, s31  }
0x5: {  	s3 =	rddreg [dreg:$0x3];
	s6 =	smul.u32 $0x180, s9  }
0x6: {  	s11 =	rddreg [dreg:$0x4]  }
0x7: {  	s4 =	simm.s32 $0x0;
	s1 =	rddreg [dreg:$0x5];
	s6 =	sshrl.u32 s6, $0x3  }
0x8: {  	[smem:$0x7FF] =	sst s4;
	s8 =	sadd.s32 $0x200, s6  }
0x9: {  	_ =	strace $0x8000004A;
	s6 =	simm.s32 $0x4;
	s5 =	sadd.s32 s5, s8  }
0xa: {  	[tilespmem:s4], [sflag:$0x4] =	stream.linear.gather [hbm4b:s5+s4], $0x180, $0x38;
	[tilespmem:$0x18300] =	vst v63  }
0xb: {  	_ =	swait.ge [sflag:s6], $0x180  }
0xc: {  	[sflag:s6] =	ssyncset.done $0x0  }
0xd: {  	s7 =	sadd.s32 s7, s8;
	s8 =	simm.s32 $0x180;
	[sflag:s6] =	ssyncadd.s32 $0xFFFFFE80  }
0xe: {  	[tilespmem:s8], [sflag:$0x4] =	stream.linear.gather [hbm4b:s7+s4], $0x180, $0x38;
	[tilespmem:$0x18300] =	vst v63  }
0xf: {  	_ =	swait.ge [sflag:s6], $0x180  }
0x10: {  	s10 =	simm.s32 $0x1;
	[sflag:s6] =	ssyncset.done $0x0  }
0x11: {  	s12 =	smul.u32 $0x1800, s9;
	s9 =	simm.s32 $0x300;
	[sflag:s6] =	ssyncadd.s32 $0xFFFFFE80  }
0x12: {  	[tilespmem:s9], [sflag:$0x1] =	stream.indirect.gather [hbm4b:s2+s8], $0x80, s4, s8, $0xb8;
	[tilespmem:$0x18300] =	vst v63  }
0x13: {  	_ =	swait.ge [sflag:s10], $0xC000  }
0x14: {  	s14 =	sadd.s32 s12, s11;
	[sflag:s10] =	ssyncset.done $0x0  }
0x15: {  	s15 =	ssub.s32 $0x2, s13;
	s11 =	sadd.s32 $0x19400, s14;
	[sflag:s10] =	ssyncadd.s32 $0xFFFF4000  }
0x16: {  	[hbm4b:s11+s4] =	stream.linear.scatter [tilespmem:s9], [sflag:$0x2], $0xC000, $0x38;
	[tilespmem:$0x18300] =	vst v63  }
0x17: {  	s16 =	sshrl.u32 s15, $0x1;
	s12 =	simm.s32 $0xC300  }
0x18: {  	[tilespmem:s12], [sflag:$0x1] =	stream.indirect.gather [hbm4b:s3+s8], $0x80, s8, s8, $0xb8;
	[tilespmem:$0x18300] =	vst v63  }
0x19: {  	s15 =	ssub.s32 s15, s16;
	_ =	swait.ge [sflag:s10], $0xC000  }
0x1a: {  	s16 =	smax.u32 s15, $0x1;
	s13 =	sadd.s32 $0x49400, s14;
	[sflag:s10] =	ssyncset.done $0x0  }
0x1b: {  	s14 =	simm.s32 $0x2;
	p0 =	sne.s32 s16, $0x1;
	[sflag:s10] =	ssyncadd.s32 $0xFFFF4000  }
0x1c: {  	[hbm4b:s13+s4] =	stream.linear.scatter [tilespmem:s12], [sflag:$0x3], $0xC000, $0x38;
	[tilespmem:$0x18300] =	vst v63  }
.Ltmp0:
0x1d: {  	_ =	swait.ge [sflag:s14], $0xC000;
	(pc) =	sbr.rel @!p0 .LBB2_2-.Ltmp0, $4  }
0x1e: {  	[sflag:s14] =	ssyncset.done $0x0  }
0x1f: {  	s15 =	simm.s32 $0x3;
	[sflag:s14] =	ssyncadd.s32 $0xFFFF4000  }
0x20: {  	_ =	swait.ge [sflag:s15], $0xC000  }
0x21: {  	s16 =	sadd.s32 $0xFFFFFFFF, s16;
	[sflag:s15] =	ssyncset.done $0x0  }
.LBB2_1:
0x22: {  	p0 =	sne.s32 s16, $0x1;
	s16 =	sadd.s32 $0xFFFFFFFF, s16;
	[sflag:s15] =	ssyncadd.s32 $0xFFFF4000  }
0x23: {  	[tilespmem:s4], [sflag:$0x4] =	stream.linear.gather [hbm4b:s5+s4], $0x180, $0x38;
	[tilespmem:$0x18300] =	vst v63  }
0x24: {  	_ =	swait.ge [sflag:s6], $0x180  }
0x25: {  	[sflag:s6] =	ssyncset.done $0x0  }
0x26: {  	[sflag:s6] =	ssyncadd.s32 $0xFFFFFE80  }
0x27: {  	[tilespmem:s8], [sflag:$0x4] =	stream.linear.gather [hbm4b:s7+s4], $0x180, $0x38;
	[tilespmem:$0x18300] =	vst v63  }
0x28: {  	_ =	swait.ge [sflag:s6], $0x180  }
0x29: {  	[sflag:s6] =	ssyncset.done $0x0  }
0x2a: {  	[sflag:s6] =	ssyncadd.s32 $0xFFFFFE80  }
0x2b: {  	[tilespmem:s9], [sflag:$0x1] =	stream.indirect.gather [hbm4b:s2+s8], $0x80, s4, s8, $0xb8;
	[tilespmem:$0x18300] =	vst v63  }
0x2c: {  	_ =	swait.ge [sflag:s10], $0xC000  }
0x2d: {  	[sflag:s10] =	ssyncset.done $0x0  }
0x2e: {  	[sflag:s10] =	ssyncadd.s32 $0xFFFF4000  }
0x2f: {  	[hbm4b:s11+s4] =	stream.linear.scatter [tilespmem:s9], [sflag:$0x2], $0xC000, $0x38;
	[tilespmem:$0x18300] =	vst v63  }
0x30: {  	_ = 	snop  }
0x31: {  	[tilespmem:s12], [sflag:$0x1] =	stream.indirect.gather [hbm4b:s3+s8], $0x80, s8, s8, $0xb8;
	[tilespmem:$0x18300] =	vst v63  }
0x32: {  	_ =	swait.ge [sflag:s10], $0xC000  }
0x33: {  	[sflag:s10] =	ssyncset.done $0x0  }
0x34: {  	[sflag:s10] =	ssyncadd.s32 $0xFFFF4000  }
0x35: {  	[hbm4b:s13+s4] =	stream.linear.scatter [tilespmem:s12], [sflag:$0x3], $0xC000, $0x38;
	[tilespmem:$0x18300] =	vst v63  }
.Ltmp1:
0x36: {  	_ =	swait.ge [sflag:s14], $0xC000;
	(pc) =	sbr.rel @p0 .LBB2_1-.Ltmp1, $4  }
0x37: {  	[sflag:s14] =	ssyncset.done $0x0  }
0x38: {  	[sflag:s14] =	ssyncadd.s32 $0xFFFF4000  }
0x39: {  	_ =	swait.ge [sflag:s15], $0xC000  }
0x3a: {  	[sflag:s15] =	ssyncset.done $0x0  }
.LBB2_2:
0x3b: {  	[sflag:s15] =	ssyncadd.s32 $0xFFFF4000  }
0x3c: {  	_ =	sfence.sel $0x180000  }
0x3d: {  	[bflag:$0x0] =	sbarrier.arrive $0xFFFF  }
0x3e: {  	p0 =	sne.s32 s0, $0x0;
	_ =	strace $0x9000004A  }
0x3f: {  	s0 =	sadd.s32 @!p0 $0x100000, s1;
	[bflag:$0x2] =	sbarrier.arrive $0xFFFF  }
0x40: {  	[sflag:s0] =	ssyncadd.tile.s32 @!p0 $0x1;
	_ =	shalt  }
.Lfunc_end2:
_tile_overlayer_lowered:
.L_overlay_start_2:
0x41: {  	(tag) =	ssettag $0x2  }
0x42: {  	s0 =	rddreg [dreg:$0x0];
	s2 =	stileid.u32  }
0x43: {  	s1 =	rddreg [dreg:$0x1];
	p0 =	sne.s32 s2, $0x0  }
0x44: {  	s3 =	rddreg [dreg:$0x2];
	[bflag:$0x3] =	sbarrier.arrive $0xFFFF;
	s2 =	simm.s32 @!p0 $0x1C04  }
0x45: {  	[timem:s3], [sflag:s2] =	dma.local @!p0 [hbm:s0], s1  }
0x46: {  	s0 =	simm.s32 @!p0 $0x4  }
0x47: {  	_ =	swait.ge @!p0 [sflag:s0], s1  }
0x48: {  	s1 =	ssub.s32 @!p0 $0x0, s1;
	[sflag:s0] =	ssyncset.done @!p0 $0x0  }
0x49: {  	[sflag:s0] =	ssyncadd.s32 @!p0 s1  }
0x4a: {  	[bflag:$0x3] =	sbarrier.arrive $0xFFFF  }
0x4b: {  	_ =	shalt  }

</sc_bundles>
